<compile_context>
chip_gen: v7x
topology: tpu7x:2x2x1
jax: 0.10.2.dev20260603
libtpu: 0.0.44.dev20260713+nightly
codegen_flags: <defaults>
</compile_context>

<pallas_src>
import functools

import jax
import jax.numpy as jnp
from jax import lax
from jax.experimental import pallas as pl
from jax.experimental.pallas import tpu as pltpu
from jax.experimental.pallas import tpu_sc as plsc

_NSUB = 16
_LANE = 16
_ROW = 128


def _rsqrt16(d):
    y = jnp.full((_LANE,), 2.0 ** -10, jnp.float32)
    for k in range(9, 0, -1):
        y = jnp.where(d < 4.0 ** k, jnp.float32(2.0 ** -k), y)
    for _ in range(6):
        y = y * (1.5 - 0.5 * d * y * y)
    return y


def _sc_node_scalars(edge_ix, x_flat, n, npad, eps):
    ch = npad // _NSUB
    full = n // ch
    rem = n - full * ch

    def body(ei_hbm, x_hbm, ones_hbm, s_hbm,
             src1, dst1, vals, xv, degv, dinvv, uv, pv, sv,
             sh_deg, sh_p, sh_u, sem_d, sem_o, sem_s, sem_x):
        tid = lax.axis_index("s")
        base = tid * ch

        c_dst = pltpu.async_copy(
            ei_hbm.at[pl.ds(_NSUB * eps + tid * eps, eps)], dst1, sem_d)
        c_one = pltpu.async_copy(ones_hbm, vals, sem_o)
        c_src = pltpu.async_copy(
            ei_hbm.at[pl.ds(tid * eps, eps)], src1, sem_s)

        z16 = jnp.zeros((_LANE,), jnp.float32)
        if full > 0:
            @pl.when(tid < full)
            def _copy_full():
                pltpu.async_copy(x_hbm.at[pl.ds(base, ch)], xv, sem_x)

        @pl.when(tid >= full)
        def _zero_x():
            def zx(i, c):
                xv[pl.ds(i * _LANE, _LANE)] = z16
                return c
            lax.fori_loop(0, ch // _LANE, zx, 0)

        def zero_body(i, c):
            sv[pl.ds(i * _LANE, _LANE)] = z16
            return c
        lax.fori_loop(0, ch // _LANE, zero_body, 0)
        pltpu.sync_copy(sv, sh_deg.at[pl.ds(base, ch)])
        pltpu.sync_copy(sv, sh_p.at[pl.ds(base, ch)])

        if rem > 0:
            @pl.when(tid == full)
            def _copy_rem():
                pltpu.async_copy(x_hbm.at[pl.ds(full * ch, rem)],
                                 xv.at[pl.ds(0, rem)], sem_x)

        c_dst.wait()
        c_one.wait()
        plsc.subcore_barrier()

        pltpu.sync_copy(vals, sh_deg.at[dst1], add=True)
        plsc.subcore_barrier()

        pltpu.sync_copy(sh_deg.at[pl.ds(base, ch)], degv)
        if full > 0:
            @pl.when(tid < full)
            def _wait_xf():
                pltpu.make_async_copy(
                    x_hbm.at[pl.ds(base, ch)], xv, sem_x).wait()
        if rem > 0:
            @pl.when(tid == full)
            def _wait_xr():
                pltpu.make_async_copy(
                    x_hbm.at[pl.ds(full * ch, rem)],
                    xv.at[pl.ds(0, rem)], sem_x).wait()

        def du_body(i, c):
            sl = pl.ds(i * _LANE, _LANE)
            d = degv[sl] + 1.0
            y = _rsqrt16(d)
            dinvv[sl] = y
            uv[sl] = xv[sl] * y
            return c
        lax.fori_loop(0, ch // _LANE, du_body, 0)
        pltpu.sync_copy(uv, sh_u.at[pl.ds(base, ch)])
        plsc.subcore_barrier()

        c_src.wait()
        pltpu.sync_copy(sh_u.at[src1], vals)
        pltpu.sync_copy(vals, sh_p.at[dst1], add=True)
        plsc.subcore_barrier()

        pltpu.sync_copy(sh_p.at[pl.ds(base, ch)], pv)

        def s_body(i, c):
            sl = pl.ds(i * _LANE, _LANE)
            sv[sl] = dinvv[sl] * (pv[sl] + uv[sl])
            return c
        lax.fori_loop(0, ch // _LANE, s_body, 0)
        pltpu.sync_copy(sv, s_hbm.at[pl.ds(base, ch)])

    mesh = plsc.VectorSubcoreMesh(
        core_axis_name="c", subcore_axis_name="s", num_cores=1)
    call = pl.kernel(
        body,
        out_type=jax.ShapeDtypeStruct((npad,), jnp.float32),
        mesh=mesh,
        compiler_params=pltpu.CompilerParams(needs_layout_passes=False),
        scratch_types=[
            pltpu.VMEM((eps,), jnp.int32),
            pltpu.VMEM((eps,), jnp.int32),
            pltpu.VMEM((eps,), jnp.float32),
            pltpu.VMEM((ch,), jnp.float32),
            pltpu.VMEM((ch,), jnp.float32),
            pltpu.VMEM((ch,), jnp.float32),
            pltpu.VMEM((ch,), jnp.float32),
            pltpu.VMEM((ch,), jnp.float32),
            pltpu.VMEM((ch,), jnp.float32),
            pltpu.VMEM_SHARED((npad,), jnp.float32),
            pltpu.VMEM_SHARED((npad,), jnp.float32),
            pltpu.VMEM_SHARED((npad,), jnp.float32),
            pltpu.SemaphoreType.DMA,
            pltpu.SemaphoreType.DMA,
            pltpu.SemaphoreType.DMA,
            pltpu.SemaphoreType.DMA,
        ],
    )
    return call(edge_ix, x_flat, jnp.ones((eps,), jnp.float32))


def _tc_head(s_pad, batch, n, npad, W1, b1, gamma, beta,
             y_extra, W_l1a, W_l1b, b_l1, W_l2, b_l2):
    g, add = y_extra.shape
    h = W1.shape[1]
    d1 = W_l1a.shape[1]
    d2 = W_l2.shape[1]
    inv_sqrt2 = 0.7071067811865476

    def body(s_ref, b_ref, w1_ref, b1_ref, ga_ref, be_ref, ye_ref,
             wa_ref, wb_ref, bl1_ref, wl2_ref, bl2_ref, o_ref):
        s_blk = s_ref[...]
        agg = s_blk * w1_ref[...] + b1_ref[...]
        hh = 0.5 * agg * (1.0 + lax.erf(agg * inv_sqrt2))

        bi = b_ref[...]
        gid = lax.broadcasted_iota(jnp.int32, (1, g), 1)
        row = lax.broadcasted_iota(jnp.int32, (npad, 1), 0)
        valid = row < n
        oh = jnp.where((bi == gid) & valid, 1.0, 0.0)

        dn = (((0,), (0,)), ((), ()))
        gsum = lax.dot_general(oh, hh, dn,
                               preferred_element_type=jnp.float32)
        gsq = lax.dot_general(oh, hh * hh, dn,
                              preferred_element_type=jnp.float32)
        cnt = lax.dot_general(oh, jnp.ones((npad, 1), jnp.float32), dn,
                              preferred_element_type=jnp.float32)

        tot = jnp.sum(gsum, axis=0, keepdims=True)
        tot2 = jnp.sum(gsq, axis=0, keepdims=True)
        mean = tot / n
        var = tot2 / n - mean * mean
        inv = lax.rsqrt(var + 1e-5)
        praw = gsum / jnp.maximum(cnt, 1.0)
        pooled = jnp.where(
            cnt > 0.0,
            (praw - mean) * inv * ga_ref[...] + be_ref[...],
            0.0)
        z = (jnp.dot(pooled, wa_ref[...],
                     preferred_element_type=jnp.float32)
             + jnp.dot(ye_ref[...], wb_ref[...],
                       preferred_element_type=jnp.float32)
             + bl1_ref[...])
        z = jnp.maximum(z, 0.0)
        z2 = (jnp.dot(z, wl2_ref[...],
                      preferred_element_type=jnp.float32)
              + bl2_ref[...])
        o_ref[...] = 1.0 / (1.0 + jnp.exp(-z2))

    full = lambda shape: pl.BlockSpec(shape, lambda i: (0,) * len(shape))
    return pl.pallas_call(
        body,
        grid=(1,),
        in_specs=[
            full((npad, 1)),
            full((npad, 1)),
            full((1, h)), full((1, h)), full((1, h)), full((1, h)),
            full((g, add)), full((h, d1)), full((add, d1)), full((1, d1)),
            full((d1, d2)), full((1, d2)),
        ],
        out_specs=full((g, d2)),
        out_shape=jax.ShapeDtypeStruct((g, d2), jnp.float32),
    )(s_pad, batch, W1, b1.reshape(1, h), gamma.reshape(1, h),
      beta.reshape(1, h), y_extra, W_l1a, W_l1b, b_l1.reshape(1, d1),
      W_l2, b_l2.reshape(1, d2))


def kernel(x, edge_index, batch, y_extra, W1, b1, gamma, beta,
           W_l1, b_l1, W_l2, b_l2):
    n = x.shape[0]
    e = edge_index.shape[1]
    h = W1.shape[1]
    g = y_extra.shape[0]

    unit = _NSUB * _LANE
    npad = ((n + 1 + unit - 1) // unit) * unit
    pad_node = npad - 1

    ei = edge_index
    if e % (_NSUB * _LANE) == 0:
        eps = e // _NSUB
    else:
        eps = -(-e // (_NSUB * _LANE)) * _LANE
        pad_e = _NSUB * eps - e
        ei = jnp.concatenate(
            [ei, jnp.full((2, pad_e), pad_node, jnp.int32)], axis=1)
    ei = ei.reshape(-1)

    x_flat = x[:, 0]
    ch = npad // _NSUB
    if (n % ch) % _LANE != 0:
        x_flat = jnp.concatenate(
            [x_flat, jnp.zeros((npad - n,), jnp.float32)])
        s = _sc_node_scalars(ei, x_flat, npad, npad, eps)
    else:
        s = _sc_node_scalars(ei, x_flat, n, npad, eps)

    return _tc_head(s.reshape(npad, 1), batch.reshape(n, 1), n, npad,
                    W1, b1, gamma, beta, y_extra,
                    W_l1[:h], W_l1[h:], b_l1, W_l2, b_l2)

# --- scband reference (transcript-rebuilt; emitter-appended) ---
"""Pipeline reference for scband-gcn-89773406421548 (READ-ONLY COPY).

The authoritative reference and input builder live on the scoring server;
editing this copy changes nothing except your own understanding.
"""

import jax, jax.numpy as jnp
import numpy as np

N = 10000
E = 320000
H = 128
G = 16
ADD = 8


def setup_inputs(seed: int = 0) -> dict:
    key = jax.random.key(seed)
    ks = jax.random.split(key, 12)
    x = jax.random.normal(ks[0], (N, 1), dtype=jnp.float32)
    edge_index = jax.random.randint(ks[1], (2, E), 0, N, dtype=jnp.int64 if jax.config.jax_enable_x64 else jnp.int32).astype(jnp.int32)
    batch = jnp.sort(jax.random.randint(ks[2], (N,), 0, G)).astype(jnp.int32)
    y_extra = jax.random.normal(ks[3], (G, ADD), dtype=jnp.float32)
    # GCNConv(1, H) parameters
    W1 = jax.random.normal(ks[4], (1, H), dtype=jnp.float32) * (1.0 / np.sqrt(1.0))
    b1 = jnp.zeros((H,), dtype=jnp.float32)
    # BatchNorm(H) parameters
    gamma = jnp.ones((H,), dtype=jnp.float32)
    beta = jnp.zeros((H,), dtype=jnp.float32)
    # lin1: Linear(H + ADD, 32)
    W_l1 = jax.random.normal(ks[5], (H + ADD, 32), dtype=jnp.float32) * (1.0 / np.sqrt(H + ADD))
    b_l1 = jnp.zeros((32,), dtype=jnp.float32)
    # lin2: Linear(32, 2)
    W_l2 = jax.random.normal(ks[6], (32, 2), dtype=jnp.float32) * (1.0 / np.sqrt(32))
    b_l2 = jnp.zeros((2,), dtype=jnp.float32)
    return {"x": x, "edge_index": edge_index, "batch": batch, "y_extra": y_extra,
            "W1": W1, "b1": b1, "gamma": gamma, "beta": beta,
            "W_l1": W_l1, "b_l1": b_l1, "W_l2": W_l2, "b_l2": b_l2}


def reference(x, edge_index, batch, y_extra, W1, b1, gamma, beta, W_l1, b_l1, W_l2, b_l2):
    # --- GCNConv(1, H) with symmetric norm + self loops (PyG default) ---
    src = edge_index[0]
    dst = edge_index[1]
    loop = jnp.arange(N, dtype=src.dtype)
    src_full = jnp.concatenate([src, loop])
    dst_full = jnp.concatenate([dst, loop])
    ones_e = jnp.ones((src_full.shape[0],), dtype=jnp.float32)
    deg = jax.ops.segment_sum(ones_e, dst_full, num_segments=N)
    deg_inv_sqrt = jnp.where(deg > 0, deg ** -0.5, 0.0)
    norm = deg_inv_sqrt[src_full] * deg_inv_sqrt[dst_full]
    h = x @ W1  # [N, H]
    msg = h[src_full] * norm[:, None]
    agg = jax.ops.segment_sum(msg, dst_full, num_segments=N) + b1
    # GELU (torch default: exact erf)
    h = jax.nn.gelu(agg, approximate=False)
    # --- BatchNorm over nodes (training-mode batch stats, biased var) ---
    mean = jnp.mean(h, axis=0)
    var = jnp.var(h, axis=0)
    h = (h - mean) / jnp.sqrt(var + 1e-5) * gamma + beta
    # --- global_mean_pool over graphs ---
    seg_sum = jax.ops.segment_sum(h, batch, num_segments=G)
    cnt = jax.ops.segment_sum(jnp.ones((N,), dtype=jnp.float32), batch, num_segments=G)
    pooled = seg_sum / jnp.maximum(cnt, 1.0)[:, None]
    # --- concat graph-level extra features (data.y[1]) ---
    z = jnp.concatenate([pooled, y_extra], axis=1)
    z = jax.nn.relu(z @ W_l1 + b_l1)
    z = jax.nn.sigmoid(z @ W_l2 + b_l2)
    return z

if __name__ == "__main__":
    import jax
    _d = setup_inputs()
    print(jax.jit(kernel)(*tuple(_d.values())))

</pallas_src>

<mosaic_0001>
#map = affine_map<(d0, d1) -> (0)>
module attributes {stable_mosaic.version = 14 : i64} {
  func.func @body(%arg0: i32, %arg1: i32, %arg2: memref<640000xi32, #tpu.memory_space<hbm>>, %arg3: memref<10000xf32, #tpu.memory_space<hbm>>, %arg4: memref<20000xf32, #tpu.memory_space<hbm>>, %arg5: memref<10240xf32, #tpu.memory_space<hbm>>, %arg6: memref<20000xi32, #tpu.memory_space<vmem>>, %arg7: memref<20000xi32, #tpu.memory_space<vmem>>, %arg8: memref<20000xf32, #tpu.memory_space<vmem>>, %arg9: memref<640xf32, #tpu.memory_space<vmem>>, %arg10: memref<640xf32, #tpu.memory_space<vmem>>, %arg11: memref<640xf32, #tpu.memory_space<vmem>>, %arg12: memref<640xf32, #tpu.memory_space<vmem>>, %arg13: memref<640xf32, #tpu.memory_space<vmem>>, %arg14: memref<640xf32, #tpu.memory_space<vmem>>, %arg15: memref<10240xf32, #tpu.memory_space<vmem_shared>>, %arg16: memref<10240xf32, #tpu.memory_space<vmem_shared>>, %arg17: memref<10240xf32, #tpu.memory_space<vmem_shared>>, %arg18: memref<!tpu.dma_semaphore, #tpu.memory_space<semaphore_mem>>, %arg19: memref<!tpu.dma_semaphore, #tpu.memory_space<semaphore_mem>>, %arg20: memref<!tpu.dma_semaphore, #tpu.memory_space<semaphore_mem>>, %arg21: memref<!tpu.dma_semaphore, #tpu.memory_space<semaphore_mem>>) attributes {dimension_semantics = [#tpu.dimension_semantics<core_parallel>, #tpu.dimension_semantics<subcore_parallel>], iteration_bounds = array<i64: 1, 16>, scalar_prefetch = 0 : i64, scratch_operands = 16 : i64, tpu.core_type = #tpu.core_type<sc_vector_subcore>, window_params = [{transform_indices = #map}, {transform_indices = #map}, {transform_indices = #map}, {transform_indices = #map}]} {
    %mul3A = arith.constant 640 : i32
    %mul3A_0 = arith.muli %arg1, %mul3A : i32
    %mul3A_1 = arith.constant 20000 : i32
    %mul3A_2 = arith.muli %arg1, %mul3A_1 : i32
    %add3A = arith.constant 320000 : i32
    %add3A_3 = arith.addi %add3A, %mul3A_2 : i32
    %dma_start3A = tpu.memref_slice %arg2[%add3A_3] : memref<640000xi32, #tpu.memory_space<hbm>> -> memref<20000xi32, #tpu.memory_space<hbm>>
    %dma_start3A_4 = tpu.memref_slice %arg2[%add3A_3] : memref<640000xi32, #tpu.memory_space<hbm>> -> memref<20000xi32, #tpu.memory_space<hbm>>
    tpu.enqueue_dma source(%dma_start3A_4 : memref<20000xi32, #tpu.memory_space<hbm>>) target(%arg7 : memref<20000xi32, #tpu.memory_space<vmem>>) target_semaphore(%arg18 : memref<!tpu.dma_semaphore, #tpu.memory_space<semaphore_mem>>)
    tpu.enqueue_dma source(%arg4 : memref<20000xf32, #tpu.memory_space<hbm>>) target(%arg8 : memref<20000xf32, #tpu.memory_space<vmem>>) target_semaphore(%arg19 : memref<!tpu.dma_semaphore, #tpu.memory_space<semaphore_mem>>)
    %mul3A_5 = arith.constant 20000 : i32
    %mul3A_6 = arith.muli %arg1, %mul3A_5 : i32
    %dma_start3A_7 = tpu.memref_slice %arg2[%mul3A_6] : memref<640000xi32, #tpu.memory_space<hbm>> -> memref<20000xi32, #tpu.memory_space<hbm>>
    %dma_start3A_8 = tpu.memref_slice %arg2[%mul3A_6] : memref<640000xi32, #tpu.memory_space<hbm>> -> memref<20000xi32, #tpu.memory_space<hbm>>
    tpu.enqueue_dma source(%dma_start3A_8 : memref<20000xi32, #tpu.memory_space<hbm>>) target(%arg6 : memref<20000xi32, #tpu.memory_space<vmem>>) target_semaphore(%arg20 : memref<!tpu.dma_semaphore, #tpu.memory_space<semaphore_mem>>)
    %broadcast_in_dim3A = arith.constant 0.000000e+00 : f32
    %broadcast_in_dim3A_9 = vector.broadcast %broadcast_in_dim3A : f32 to vector<16xf32>
    %lt3A = arith.constant 15 : i32
    %lt3A_10 = arith.cmpi slt, %arg1, %lt3A : i32
    %convert_element_type3A = arith.extui %lt3A_10 : i1 to i32
    %cond3A = arith.constant 0 : i32
    %cond3A_11 = arith.cmpi ne, %convert_element_type3A, %cond3A : i32
    scf.if %cond3A_11 {
      %dma_start3A_53 = tpu.memref_slice %arg3[%mul3A_0] : memref<10000xf32, #tpu.memory_space<hbm>> -> memref<640xf32, #tpu.memory_space<hbm>>
      %dma_start3A_54 = tpu.memref_slice %arg3[%mul3A_0] : memref<10000xf32, #tpu.memory_space<hbm>> -> memref<640xf32, #tpu.memory_space<hbm>>
      tpu.enqueue_dma source(%dma_start3A_54 : memref<640xf32, #tpu.memory_space<hbm>>) target(%arg9 : memref<640xf32, #tpu.memory_space<vmem>>) target_semaphore(%arg21 : memref<!tpu.dma_semaphore, #tpu.memory_space<semaphore_mem>>)
    } else {
    }
    %ge3A = arith.constant 15 : i32
    %ge3A_12 = arith.cmpi sge, %arg1, %ge3A : i32
    %convert_element_type3A_13 = arith.extui %ge3A_12 : i1 to i32
    %cond3A_14 = arith.constant 0 : i32
    %cond3A_15 = arith.cmpi ne, %convert_element_type3A_13, %cond3A_14 : i32
    scf.if %cond3A_15 {
      %scan3A_53 = arith.constant 0 : i32
      %scan3A_54 = arith.constant 0 : i32
      %scan3A_55 = arith.constant 40 : i32
      %scan3A_56 = arith.addi %scan3A_54, %scan3A_55 : i32
      %scan3A_57 = arith.constant 1 : i32
      scf.for %scan3A_59 = %scan3A_54 to %scan3A_56 step %scan3A_57  : i32 {
        %mul3A_60 = arith.constant 16 : i32
        %mul3A_61 = arith.muli %scan3A_59, %mul3A_60 : i32
        %swap3A = arith.index_cast %mul3A_61 : i32 to index
        %swap3A_62 = tpu.vector_load %arg9[%swap3A] {strides = array<i32>} : memref<640xf32, #tpu.memory_space<vmem>>, vector<16xf32>,
        tpu.vector_store %arg9[%swap3A], %broadcast_in_dim3A_9 {strides = array<i32>} : memref<640xf32, #tpu.memory_space<vmem>>, vector<16xf32>,
      }
      %scan3A_58 = arith.constant 40 : i32
    } else {
    }
    %scan3A = arith.constant 0 : i32
    %scan3A_16 = arith.constant 0 : i32
    %scan3A_17 = arith.constant 40 : i32
    %scan3A_18 = arith.addi %scan3A_16, %scan3A_17 : i32
    %scan3A_19 = arith.constant 1 : i32
    scf.for %scan3A_53 = %scan3A_16 to %scan3A_18 step %scan3A_19  : i32 {
      %mul3A_54 = arith.constant 16 : i32
      %mul3A_55 = arith.muli %scan3A_53, %mul3A_54 : i32
      %swap3A = arith.index_cast %mul3A_55 : i32 to index
      %swap3A_56 = tpu.vector_load %arg14[%swap3A] {strides = array<i32>} : memref<640xf32, #tpu.memory_space<vmem>>, vector<16xf32>,
      tpu.vector_store %arg14[%swap3A], %broadcast_in_dim3A_9 {strides = array<i32>} : memref<640xf32, #tpu.memory_space<vmem>>, vector<16xf32>,
    }
    %scan3A_20 = arith.constant 40 : i32
    "tpu.region"() ({
      %run_scoped3A = tpu.sem_alloc : memref<!tpu.dma_semaphore, #tpu.memory_space<semaphore_mem>>
      %dma_start3A_53 = tpu.memref_slice %arg15[%mul3A_0] : memref<10240xf32, #tpu.memory_space<vmem_shared>> -> memref<640xf32, #tpu.memory_space<vmem_shared>>
      %dma_start3A_54 = tpu.memref_slice %arg15[%mul3A_0] : memref<10240xf32, #tpu.memory_space<vmem_shared>> -> memref<640xf32, #tpu.memory_space<vmem_shared>>
      tpu.enqueue_dma source(%arg14 : memref<640xf32, #tpu.memory_space<vmem>>) target(%dma_start3A_54 : memref<640xf32, #tpu.memory_space<vmem_shared>>) target_semaphore(%run_scoped3A : memref<!tpu.dma_semaphore, #tpu.memory_space<semaphore_mem>>)
      %dma_wait3A_55 = tpu.memref_slice %arg15[%mul3A_0] : memref<10240xf32, #tpu.memory_space<vmem_shared>> -> memref<640xf32, #tpu.memory_space<vmem_shared>>
      %dma_wait3A_56 = tpu.memref_slice %arg15[%mul3A_0] : memref<10240xf32, #tpu.memory_space<vmem_shared>> -> memref<640xf32, #tpu.memory_space<vmem_shared>>
      tpu.wait_dma2 semaphore(%run_scoped3A : memref<!tpu.dma_semaphore, #tpu.memory_space<semaphore_mem>>) src(%arg14 : memref<640xf32, #tpu.memory_space<vmem>>) dst(%dma_wait3A_56 : memref<640xf32, #tpu.memory_space<vmem_shared>>)
      tpu.yield
    }) : () -> ()
    "tpu.region"() ({
      %run_scoped3A = tpu.sem_alloc : memref<!tpu.dma_semaphore, #tpu.memory_space<semaphore_mem>>
      %dma_start3A_53 = tpu.memref_slice %arg16[%mul3A_0] : memref<10240xf32, #tpu.memory_space<vmem_shared>> -> memref<640xf32, #tpu.memory_space<vmem_shared>>
      %dma_start3A_54 = tpu.memref_slice %arg16[%mul3A_0] : memref<10240xf32, #tpu.memory_space<vmem_shared>> -> memref<640xf32, #tpu.memory_space<vmem_shared>>
      tpu.enqueue_dma source(%arg14 : memref<640xf32, #tpu.memory_space<vmem>>) target(%dma_start3A_54 : memref<640xf32, #tpu.memory_space<vmem_shared>>) target_semaphore(%run_scoped3A : memref<!tpu.dma_semaphore, #tpu.memory_space<semaphore_mem>>)
      %dma_wait3A_55 = tpu.memref_slice %arg16[%mul3A_0] : memref<10240xf32, #tpu.memory_space<vmem_shared>> -> memref<640xf32, #tpu.memory_space<vmem_shared>>
      %dma_wait3A_56 = tpu.memref_slice %arg16[%mul3A_0] : memref<10240xf32, #tpu.memory_space<vmem_shared>> -> memref<640xf32, #tpu.memory_space<vmem_shared>>
      tpu.wait_dma2 semaphore(%run_scoped3A : memref<!tpu.dma_semaphore, #tpu.memory_space<semaphore_mem>>) src(%arg14 : memref<640xf32, #tpu.memory_space<vmem>>) dst(%dma_wait3A_56 : memref<640xf32, #tpu.memory_space<vmem_shared>>)
      tpu.yield
    }) : () -> ()
    %eq3A = arith.constant 15 : i32
    %eq3A_21 = arith.cmpi eq, %arg1, %eq3A : i32
    %convert_element_type3A_22 = arith.extui %eq3A_21 : i1 to i32
    %cond3A_23 = arith.constant 0 : i32
    %cond3A_24 = arith.cmpi ne, %convert_element_type3A_22, %cond3A_23 : i32
    scf.if %cond3A_24 {
      %dma_start3A_53 = arith.constant 0 : i32
      %dma_start3A_54 = tpu.memref_slice %arg9[%dma_start3A_53] : memref<640xf32, #tpu.memory_space<vmem>> -> memref<400xf32, #tpu.memory_space<vmem>>
      %dma_start3A_55 = arith.constant 9600 : i32
      %dma_start3A_56 = tpu.memref_slice %arg3[%dma_start3A_55] : memref<10000xf32, #tpu.memory_space<hbm>> -> memref<400xf32, #tpu.memory_space<hbm>>
      %dma_start3A_57 = arith.constant 0 : i32
      %dma_start3A_58 = tpu.memref_slice %arg9[%dma_start3A_57] : memref<640xf32, #tpu.memory_space<vmem>> -> memref<400xf32, #tpu.memory_space<vmem>>
      %dma_start3A_59 = arith.constant 9600 : i32
      %dma_start3A_60 = tpu.memref_slice %arg3[%dma_start3A_59] : memref<10000xf32, #tpu.memory_space<hbm>> -> memref<400xf32, #tpu.memory_space<hbm>>
      tpu.enqueue_dma source(%dma_start3A_60 : memref<400xf32, #tpu.memory_space<hbm>>) target(%dma_start3A_58 : memref<400xf32, #tpu.memory_space<vmem>>) target_semaphore(%arg21 : memref<!tpu.dma_semaphore, #tpu.memory_space<semaphore_mem>>)
    } else {
    }
    %dma_wait3A = tpu.memref_slice %arg2[%add3A_3] : memref<640000xi32, #tpu.memory_space<hbm>> -> memref<20000xi32, #tpu.memory_space<hbm>>
    %dma_wait3A_25 = tpu.memref_slice %arg2[%add3A_3] : memref<640000xi32, #tpu.memory_space<hbm>> -> memref<20000xi32, #tpu.memory_space<hbm>>
    tpu.wait_dma2 semaphore(%arg18 : memref<!tpu.dma_semaphore, #tpu.memory_space<semaphore_mem>>) src(%dma_wait3A_25 : memref<20000xi32, #tpu.memory_space<hbm>>) dst(%arg7 : memref<20000xi32, #tpu.memory_space<vmem>>)
    tpu.wait_dma2 semaphore(%arg19 : memref<!tpu.dma_semaphore, #tpu.memory_space<semaphore_mem>>) src(%arg4 : memref<20000xf32, #tpu.memory_space<hbm>>) dst(%arg8 : memref<20000xf32, #tpu.memory_space<vmem>>)
    %barrier3A = arith.constant 0 : index
    tpu.barrier barrier_id(%barrier3A)
    "tpu.region"() ({
      %run_scoped3A = tpu.sem_alloc : memref<!tpu.dma_semaphore, #tpu.memory_space<semaphore_mem>>
      %dma_start3A_53 = arith.constant 0 : i32
      %dma_start3A_54 = tpu.memref_slice %arg15[%dma_start3A_53] : memref<10240xf32, #tpu.memory_space<vmem_shared>> -> memref<10240xf32, #tpu.memory_space<vmem_shared>>
      tpu.enqueue_indirect_dma source(%arg8 : memref<20000xf32, #tpu.memory_space<vmem>>) target(%dma_start3A_54 : memref<10240xf32, #tpu.memory_space<vmem_shared>>) offsets(%arg7 : memref<20000xi32, #tpu.memory_space<vmem>>) semaphore(%run_scoped3A : memref<!tpu.dma_semaphore, #tpu.memory_space<semaphore_mem>>) {add = true}
      %dma_wait3A_55 = arith.constant 0 : i32
      %dma_wait3A_56 = tpu.memref_slice %arg15[%dma_wait3A_55] : memref<10240xf32, #tpu.memory_space<vmem_shared>> -> memref<10240xf32, #tpu.memory_space<vmem_shared>>
      tpu.wait_indirect_dma semaphore(%run_scoped3A : memref<!tpu.dma_semaphore, #tpu.memory_space<semaphore_mem>>) src(%arg8 : memref<20000xf32, #tpu.memory_space<vmem>>) dst(%dma_wait3A_56 : memref<10240xf32, #tpu.memory_space<vmem_shared>>)
      tpu.yield
    }) : () -> ()
    %barrier3A_26 = arith.constant 0 : index
    tpu.barrier barrier_id(%barrier3A_26)
    "tpu.region"() ({
      %run_scoped3A = tpu.sem_alloc : memref<!tpu.dma_semaphore, #tpu.memory_space<semaphore_mem>>
      %dma_start3A_53 = tpu.memref_slice %arg15[%mul3A_0] : memref<10240xf32, #tpu.memory_space<vmem_shared>> -> memref<640xf32, #tpu.memory_space<vmem_shared>>
      %dma_start3A_54 = tpu.memref_slice %arg15[%mul3A_0] : memref<10240xf32, #tpu.memory_space<vmem_shared>> -> memref<640xf32, #tpu.memory_space<vmem_shared>>
      tpu.enqueue_dma source(%dma_start3A_54 : memref<640xf32, #tpu.memory_space<vmem_shared>>) target(%arg10 : memref<640xf32, #tpu.memory_space<vmem>>) target_semaphore(%run_scoped3A : memref<!tpu.dma_semaphore, #tpu.memory_space<semaphore_mem>>)
      %dma_wait3A_55 = tpu.memref_slice %arg15[%mul3A_0] : memref<10240xf32, #tpu.memory_space<vmem_shared>> -> memref<640xf32, #tpu.memory_space<vmem_shared>>
      %dma_wait3A_56 = tpu.memref_slice %arg15[%mul3A_0] : memref<10240xf32, #tpu.memory_space<vmem_shared>> -> memref<640xf32, #tpu.memory_space<vmem_shared>>
      tpu.wait_dma2 semaphore(%run_scoped3A : memref<!tpu.dma_semaphore, #tpu.memory_space<semaphore_mem>>) src(%dma_wait3A_56 : memref<640xf32, #tpu.memory_space<vmem_shared>>) dst(%arg10 : memref<640xf32, #tpu.memory_space<vmem>>)
      tpu.yield
    }) : () -> ()
    %lt3A_27 = arith.constant 15 : i32
    %lt3A_28 = arith.cmpi slt, %arg1, %lt3A_27 : i32
    %convert_element_type3A_29 = arith.extui %lt3A_28 : i1 to i32
    %cond3A_30 = arith.constant 0 : i32
    %cond3A_31 = arith.cmpi ne, %convert_element_type3A_29, %cond3A_30 : i32
    scf.if %cond3A_31 {
      %dma_wait3A_53 = tpu.memref_slice %arg3[%mul3A_0] : memref<10000xf32, #tpu.memory_space<hbm>> -> memref<640xf32, #tpu.memory_space<hbm>>
      %dma_wait3A_54 = tpu.memref_slice %arg3[%mul3A_0] : memref<10000xf32, #tpu.memory_space<hbm>> -> memref<640xf32, #tpu.memory_space<hbm>>
      tpu.wait_dma2 semaphore(%arg21 : memref<!tpu.dma_semaphore, #tpu.memory_space<semaphore_mem>>) src(%dma_wait3A_54 : memref<640xf32, #tpu.memory_space<hbm>>) dst(%arg9 : memref<640xf32, #tpu.memory_space<vmem>>)
    } else {
    }
    %eq3A_32 = arith.constant 15 : i32
    %eq3A_33 = arith.cmpi eq, %arg1, %eq3A_32 : i32
    %convert_element_type3A_34 = arith.extui %eq3A_33 : i1 to i32
    %cond3A_35 = arith.constant 0 : i32
    %cond3A_36 = arith.cmpi ne, %convert_element_type3A_34, %cond3A_35 : i32
    scf.if %cond3A_36 {
      %dma_wait3A_53 = arith.constant 0 : i32
      %dma_wait3A_54 = tpu.memref_slice %arg9[%dma_wait3A_53] : memref<640xf32, #tpu.memory_space<vmem>> -> memref<400xf32, #tpu.memory_space<vmem>>
      %dma_wait3A_55 = arith.constant 9600 : i32
      %dma_wait3A_56 = tpu.memref_slice %arg3[%dma_wait3A_55] : memref<10000xf32, #tpu.memory_space<hbm>> -> memref<400xf32, #tpu.memory_space<hbm>>
      %dma_wait3A_57 = arith.constant 0 : i32
      %dma_wait3A_58 = tpu.memref_slice %arg9[%dma_wait3A_57] : memref<640xf32, #tpu.memory_space<vmem>> -> memref<400xf32, #tpu.memory_space<vmem>>
      %dma_wait3A_59 = arith.constant 9600 : i32
      %dma_wait3A_60 = tpu.memref_slice %arg3[%dma_wait3A_59] : memref<10000xf32, #tpu.memory_space<hbm>> -> memref<400xf32, #tpu.memory_space<hbm>>
      tpu.wait_dma2 semaphore(%arg21 : memref<!tpu.dma_semaphore, #tpu.memory_space<semaphore_mem>>) src(%dma_wait3A_60 : memref<400xf32, #tpu.memory_space<hbm>>) dst(%dma_wait3A_58 : memref<400xf32, #tpu.memory_space<vmem>>)
    } else {
    }
    %scan3A_37 = arith.constant 0 : i32
    %scan3A_38 = arith.constant 0 : i32
    %scan3A_39 = arith.constant 40 : i32
    %scan3A_40 = arith.addi %scan3A_38, %scan3A_39 : i32
    %scan3A_41 = arith.constant 1 : i32
    scf.for %scan3A_53 = %scan3A_38 to %scan3A_40 step %scan3A_41  : i32 {
      %mul3A_54 = arith.constant 16 : i32
      %mul3A_55 = arith.muli %scan3A_53, %mul3A_54 : i32
      %get3A = arith.index_cast %mul3A_55 : i32 to index
      %get3A_56 = tpu.vector_load %arg10[%get3A] {strides = array<i32>} : memref<640xf32, #tpu.memory_space<vmem>>, vector<16xf32>,
      %add3A_57 = arith.constant 1.000000e+00 : f32
      %add3A_58 = vector.broadcast %add3A_57 : f32 to vector<16xf32>
      %add3A_59 = arith.addf %get3A_56, %add3A_58 : vector<16xf32>
      %broadcast_in_dim3A_60 = arith.constant 9.765625E-4 : f32
      %broadcast_in_dim3A_61 = vector.broadcast %broadcast_in_dim3A_60 : f32 to vector<16xf32>
      %lt3A_62 = arith.constant 2.621440e+05 : f32
      %lt3A_63 = vector.broadcast %lt3A_62 : f32 to vector<16xf32>
      %lt3A_64 = arith.cmpf olt, %add3A_59, %lt3A_63 : vector<16xf32>
      %jit3A = arith.constant 0.001953125 : f32
      %broadcast_in_dim3A_65 = vector.broadcast %jit3A : f32 to vector<16xf32>
      %select_n3A = arith.select %lt3A_64, %broadcast_in_dim3A_65, %broadcast_in_dim3A_61 : vector<16xi1>, vector<16xf32>
      %lt3A_66 = arith.constant 6.553600e+04 : f32
      %lt3A_67 = vector.broadcast %lt3A_66 : f32 to vector<16xf32>
      %lt3A_68 = arith.cmpf olt, %add3A_59, %lt3A_67 : vector<16xf32>
      %jit3A_69 = arith.constant 3.906250e-03 : f32
      %broadcast_in_dim3A_70 = vector.broadcast %jit3A_69 : f32 to vector<16xf32>
      %select_n3A_71 = arith.select %lt3A_68, %broadcast_in_dim3A_70, %select_n3A : vector<16xi1>, vector<16xf32>
      %lt3A_72 = arith.constant 1.638400e+04 : f32
      %lt3A_73 = vector.broadcast %lt3A_72 : f32 to vector<16xf32>
      %lt3A_74 = arith.cmpf olt, %add3A_59, %lt3A_73 : vector<16xf32>
      %jit3A_75 = arith.constant 7.812500e-03 : f32
      %broadcast_in_dim3A_76 = vector.broadcast %jit3A_75 : f32 to vector<16xf32>
      %select_n3A_77 = arith.select %lt3A_74, %broadcast_in_dim3A_76, %select_n3A_71 : vector<16xi1>, vector<16xf32>
      %lt3A_78 = arith.constant 4.096000e+03 : f32
      %lt3A_79 = vector.broadcast %lt3A_78 : f32 to vector<16xf32>
      %lt3A_80 = arith.cmpf olt, %add3A_59, %lt3A_79 : vector<16xf32>
      %jit3A_81 = arith.constant 1.562500e-02 : f32
      %broadcast_in_dim3A_82 = vector.broadcast %jit3A_81 : f32 to vector<16xf32>
      %select_n3A_83 = arith.select %lt3A_80, %broadcast_in_dim3A_82, %select_n3A_77 : vector<16xi1>, vector<16xf32>
      %lt3A_84 = arith.constant 1.024000e+03 : f32
      %lt3A_85 = vector.broadcast %lt3A_84 : f32 to vector<16xf32>
      %lt3A_86 = arith.cmpf olt, %add3A_59, %lt3A_85 : vector<16xf32>
      %jit3A_87 = arith.constant 3.125000e-02 : f32
      %broadcast_in_dim3A_88 = vector.broadcast %jit3A_87 : f32 to vector<16xf32>
      %select_n3A_89 = arith.select %lt3A_86, %broadcast_in_dim3A_88, %select_n3A_83 : vector<16xi1>, vector<16xf32>
      %lt3A_90 = arith.constant 2.560000e+02 : f32
      %lt3A_91 = vector.broadcast %lt3A_90 : f32 to vector<16xf32>
      %lt3A_92 = arith.cmpf olt, %add3A_59, %lt3A_91 : vector<16xf32>
      %jit3A_93 = arith.constant 6.250000e-02 : f32
      %broadcast_in_dim3A_94 = vector.broadcast %jit3A_93 : f32 to vector<16xf32>
      %select_n3A_95 = arith.select %lt3A_92, %broadcast_in_dim3A_94, %select_n3A_89 : vector<16xi1>, vector<16xf32>
      %lt3A_96 = arith.constant 6.400000e+01 : f32
      %lt3A_97 = vector.broadcast %lt3A_96 : f32 to vector<16xf32>
      %lt3A_98 = arith.cmpf olt, %add3A_59, %lt3A_97 : vector<16xf32>
      %jit3A_99 = arith.constant 1.250000e-01 : f32
      %broadcast_in_dim3A_100 = vector.broadcast %jit3A_99 : f32 to vector<16xf32>
      %select_n3A_101 = arith.select %lt3A_98, %broadcast_in_dim3A_100, %select_n3A_95 : vector<16xi1>, vector<16xf32>
      %lt3A_102 = arith.constant 1.600000e+01 : f32
      %lt3A_103 = vector.broadcast %lt3A_102 : f32 to vector<16xf32>
      %lt3A_104 = arith.cmpf olt, %add3A_59, %lt3A_103 : vector<16xf32>
      %jit3A_105 = arith.constant 2.500000e-01 : f32
      %broadcast_in_dim3A_106 = vector.broadcast %jit3A_105 : f32 to vector<16xf32>
      %select_n3A_107 = arith.select %lt3A_104, %broadcast_in_dim3A_106, %select_n3A_101 : vector<16xi1>, vector<16xf32>
      %lt3A_108 = arith.constant 4.000000e+00 : f32
      %lt3A_109 = vector.broadcast %lt3A_108 : f32 to vector<16xf32>
      %lt3A_110 = arith.cmpf olt, %add3A_59, %lt3A_109 : vector<16xf32>
      %jit3A_111 = arith.constant 5.000000e-01 : f32
      %broadcast_in_dim3A_112 = vector.broadcast %jit3A_111 : f32 to vector<16xf32>
      %select_n3A_113 = arith.select %lt3A_110, %broadcast_in_dim3A_112, %select_n3A_107 : vector<16xi1>, vector<16xf32>
      %mul3A_114 = arith.constant 5.000000e-01 : f32
      %mul3A_115 = vector.broadcast %mul3A_114 : f32 to vector<16xf32>
      %mul3A_116 = arith.mulf %mul3A_115, %add3A_59 : vector<16xf32>
      %mul3A_117 = arith.mulf %mul3A_116, %select_n3A_113 : vector<16xf32>
      %mul3A_118 = arith.mulf %mul3A_117, %select_n3A_113 : vector<16xf32>
      %sub3A = arith.constant 1.500000e+00 : f32
      %sub3A_119 = vector.broadcast %sub3A : f32 to vector<16xf32>
      %sub3A_120 = arith.subf %sub3A_119, %mul3A_118 : vector<16xf32>
      %mul3A_121 = arith.mulf %select_n3A_113, %sub3A_120 : vector<16xf32>
      %mul3A_122 = arith.constant 5.000000e-01 : f32
      %mul3A_123 = vector.broadcast %mul3A_122 : f32 to vector<16xf32>
      %mul3A_124 = arith.mulf %mul3A_123, %add3A_59 : vector<16xf32>
      %mul3A_125 = arith.mulf %mul3A_124, %mul3A_121 : vector<16xf32>
      %mul3A_126 = arith.mulf %mul3A_125, %mul3A_121 : vector<16xf32>
      %sub3A_127 = arith.constant 1.500000e+00 : f32
      %sub3A_128 = vector.broadcast %sub3A_127 : f32 to vector<16xf32>
      %sub3A_129 = arith.subf %sub3A_128, %mul3A_126 : vector<16xf32>
      %mul3A_130 = arith.mulf %mul3A_121, %sub3A_129 : vector<16xf32>
      %mul3A_131 = arith.constant 5.000000e-01 : f32
      %mul3A_132 = vector.broadcast %mul3A_131 : f32 to vector<16xf32>
      %mul3A_133 = arith.mulf %mul3A_132, %add3A_59 : vector<16xf32>
      %mul3A_134 = arith.mulf %mul3A_133, %mul3A_130 : vector<16xf32>
      %mul3A_135 = arith.mulf %mul3A_134, %mul3A_130 : vector<16xf32>
      %sub3A_136 = arith.constant 1.500000e+00 : f32
      %sub3A_137 = vector.broadcast %sub3A_136 : f32 to vector<16xf32>
      %sub3A_138 = arith.subf %sub3A_137, %mul3A_135 : vector<16xf32>
      %mul3A_139 = arith.mulf %mul3A_130, %sub3A_138 : vector<16xf32>
      %mul3A_140 = arith.constant 5.000000e-01 : f32
      %mul3A_141 = vector.broadcast %mul3A_140 : f32 to vector<16xf32>
      %mul3A_142 = arith.mulf %mul3A_141, %add3A_59 : vector<16xf32>
      %mul3A_143 = arith.mulf %mul3A_142, %mul3A_139 : vector<16xf32>
      %mul3A_144 = arith.mulf %mul3A_143, %mul3A_139 : vector<16xf32>
      %sub3A_145 = arith.constant 1.500000e+00 : f32
      %sub3A_146 = vector.broadcast %sub3A_145 : f32 to vector<16xf32>
      %sub3A_147 = arith.subf %sub3A_146, %mul3A_144 : vector<16xf32>
      %mul3A_148 = arith.mulf %mul3A_139, %sub3A_147 : vector<16xf32>
      %mul3A_149 = arith.constant 5.000000e-01 : f32
      %mul3A_150 = vector.broadcast %mul3A_149 : f32 to vector<16xf32>
      %mul3A_151 = arith.mulf %mul3A_150, %add3A_59 : vector<16xf32>
      %mul3A_152 = arith.mulf %mul3A_151, %mul3A_148 : vector<16xf32>
      %mul3A_153 = arith.mulf %mul3A_152, %mul3A_148 : vector<16xf32>
      %sub3A_154 = arith.constant 1.500000e+00 : f32
      %sub3A_155 = vector.broadcast %sub3A_154 : f32 to vector<16xf32>
      %sub3A_156 = arith.subf %sub3A_155, %mul3A_153 : vector<16xf32>
      %mul3A_157 = arith.mulf %mul3A_148, %sub3A_156 : vector<16xf32>
      %mul3A_158 = arith.constant 5.000000e-01 : f32
      %mul3A_159 = vector.broadcast %mul3A_158 : f32 to vector<16xf32>
      %mul3A_160 = arith.mulf %mul3A_159, %add3A_59 : vector<16xf32>
      %mul3A_161 = arith.mulf %mul3A_160, %mul3A_157 : vector<16xf32>
      %mul3A_162 = arith.mulf %mul3A_161, %mul3A_157 : vector<16xf32>
      %sub3A_163 = arith.constant 1.500000e+00 : f32
      %sub3A_164 = vector.broadcast %sub3A_163 : f32 to vector<16xf32>
      %sub3A_165 = arith.subf %sub3A_164, %mul3A_162 : vector<16xf32>
      %mul3A_166 = arith.mulf %mul3A_157, %sub3A_165 : vector<16xf32>
      %swap3A = arith.index_cast %mul3A_55 : i32 to index
      %swap3A_167 = tpu.vector_load %arg11[%swap3A] {strides = array<i32>} : memref<640xf32, #tpu.memory_space<vmem>>, vector<16xf32>,
      tpu.vector_store %arg11[%swap3A], %mul3A_166 {strides = array<i32>} : memref<640xf32, #tpu.memory_space<vmem>>, vector<16xf32>,
      %get3A_168 = arith.index_cast %mul3A_55 : i32 to index
      %get3A_169 = tpu.vector_load %arg9[%get3A_168] {strides = array<i32>} : memref<640xf32, #tpu.memory_space<vmem>>, vector<16xf32>,
      %mul3A_170 = arith.mulf %get3A_169, %mul3A_166 : vector<16xf32>
      %swap3A_171 = arith.index_cast %mul3A_55 : i32 to index
      %swap3A_172 = tpu.vector_load %arg12[%swap3A_171] {strides = array<i32>} : memref<640xf32, #tpu.memory_space<vmem>>, vector<16xf32>,
      tpu.vector_store %arg12[%swap3A_171], %mul3A_170 {strides = array<i32>} : memref<640xf32, #tpu.memory_space<vmem>>, vector<16xf32>,
    }
    %scan3A_42 = arith.constant 40 : i32
    "tpu.region"() ({
      %run_scoped3A = tpu.sem_alloc : memref<!tpu.dma_semaphore, #tpu.memory_space<semaphore_mem>>
      %dma_start3A_53 = tpu.memref_slice %arg17[%mul3A_0] : memref<10240xf32, #tpu.memory_space<vmem_shared>> -> memref<640xf32, #tpu.memory_space<vmem_shared>>
      %dma_start3A_54 = tpu.memref_slice %arg17[%mul3A_0] : memref<10240xf32, #tpu.memory_space<vmem_shared>> -> memref<640xf32, #tpu.memory_space<vmem_shared>>
      tpu.enqueue_dma source(%arg12 : memref<640xf32, #tpu.memory_space<vmem>>) target(%dma_start3A_54 : memref<640xf32, #tpu.memory_space<vmem_shared>>) target_semaphore(%run_scoped3A : memref<!tpu.dma_semaphore, #tpu.memory_space<semaphore_mem>>)
      %dma_wait3A_55 = tpu.memref_slice %arg17[%mul3A_0] : memref<10240xf32, #tpu.memory_space<vmem_shared>> -> memref<640xf32, #tpu.memory_space<vmem_shared>>
      %dma_wait3A_56 = tpu.memref_slice %arg17[%mul3A_0] : memref<10240xf32, #tpu.memory_space<vmem_shared>> -> memref<640xf32, #tpu.memory_space<vmem_shared>>
      tpu.wait_dma2 semaphore(%run_scoped3A : memref<!tpu.dma_semaphore, #tpu.memory_space<semaphore_mem>>) src(%arg12 : memref<640xf32, #tpu.memory_space<vmem>>) dst(%dma_wait3A_56 : memref<640xf32, #tpu.memory_space<vmem_shared>>)
      tpu.yield
    }) : () -> ()
    %barrier3A_43 = arith.constant 0 : index
    tpu.barrier barrier_id(%barrier3A_43)
    %dma_wait3A_44 = tpu.memref_slice %arg2[%mul3A_6] : memref<640000xi32, #tpu.memory_space<hbm>> -> memref<20000xi32, #tpu.memory_space<hbm>>
    %dma_wait3A_45 = tpu.memref_slice %arg2[%mul3A_6] : memref<640000xi32, #tpu.memory_space<hbm>> -> memref<20000xi32, #tpu.memory_space<hbm>>
    tpu.wait_dma2 semaphore(%arg20 : memref<!tpu.dma_semaphore, #tpu.memory_space<semaphore_mem>>) src(%dma_wait3A_45 : memref<20000xi32, #tpu.memory_space<hbm>>) dst(%arg6 : memref<20000xi32, #tpu.memory_space<vmem>>)
    "tpu.region"() ({
      %run_scoped3A = tpu.sem_alloc : memref<!tpu.dma_semaphore, #tpu.memory_space<semaphore_mem>>
      %dma_start3A_53 = arith.constant 0 : i32
      %dma_start3A_54 = tpu.memref_slice %arg17[%dma_start3A_53] : memref<10240xf32, #tpu.memory_space<vmem_shared>> -> memref<10240xf32, #tpu.memory_space<vmem_shared>>
      tpu.enqueue_indirect_dma source(%dma_start3A_54 : memref<10240xf32, #tpu.memory_space<vmem_shared>>) target(%arg8 : memref<20000xf32, #tpu.memory_space<vmem>>) offsets(%arg6 : memref<20000xi32, #tpu.memory_space<vmem>>) semaphore(%run_scoped3A : memref<!tpu.dma_semaphore, #tpu.memory_space<semaphore_mem>>)
      %dma_wait3A_55 = arith.constant 0 : i32
      %dma_wait3A_56 = tpu.memref_slice %arg17[%dma_wait3A_55] : memref<10240xf32, #tpu.memory_space<vmem_shared>> -> memref<10240xf32, #tpu.memory_space<vmem_shared>>
      tpu.wait_indirect_dma semaphore(%run_scoped3A : memref<!tpu.dma_semaphore, #tpu.memory_space<semaphore_mem>>) src(%dma_wait3A_56 : memref<10240xf32, #tpu.memory_space<vmem_shared>>) dst(%arg8 : memref<20000xf32, #tpu.memory_space<vmem>>)
      tpu.yield
    }) : () -> ()
    "tpu.region"() ({
      %run_scoped3A = tpu.sem_alloc : memref<!tpu.dma_semaphore, #tpu.memory_space<semaphore_mem>>
      %dma_start3A_53 = arith.constant 0 : i32
      %dma_start3A_54 = tpu.memref_slice %arg16[%dma_start3A_53] : memref<10240xf32, #tpu.memory_space<vmem_shared>> -> memref<10240xf32, #tpu.memory_space<vmem_shared>>
      tpu.enqueue_indirect_dma source(%arg8 : memref<20000xf32, #tpu.memory_space<vmem>>) target(%dma_start3A_54 : memref<10240xf32, #tpu.memory_space<vmem_shared>>) offsets(%arg7 : memref<20000xi32, #tpu.memory_space<vmem>>) semaphore(%run_scoped3A : memref<!tpu.dma_semaphore, #tpu.memory_space<semaphore_mem>>) {add = true}
      %dma_wait3A_55 = arith.constant 0 : i32
      %dma_wait3A_56 = tpu.memref_slice %arg16[%dma_wait3A_55] : memref<10240xf32, #tpu.memory_space<vmem_shared>> -> memref<10240xf32, #tpu.memory_space<vmem_shared>>
      tpu.wait_indirect_dma semaphore(%run_scoped3A : memref<!tpu.dma_semaphore, #tpu.memory_space<semaphore_mem>>) src(%arg8 : memref<20000xf32, #tpu.memory_space<vmem>>) dst(%dma_wait3A_56 : memref<10240xf32, #tpu.memory_space<vmem_shared>>)
      tpu.yield
    }) : () -> ()
    %barrier3A_46 = arith.constant 0 : index
    tpu.barrier barrier_id(%barrier3A_46)
    "tpu.region"() ({
      %run_scoped3A = tpu.sem_alloc : memref<!tpu.dma_semaphore, #tpu.memory_space<semaphore_mem>>
      %dma_start3A_53 = tpu.memref_slice %arg16[%mul3A_0] : memref<10240xf32, #tpu.memory_space<vmem_shared>> -> memref<640xf32, #tpu.memory_space<vmem_shared>>
      %dma_start3A_54 = tpu.memref_slice %arg16[%mul3A_0] : memref<10240xf32, #tpu.memory_space<vmem_shared>> -> memref<640xf32, #tpu.memory_space<vmem_shared>>
      tpu.enqueue_dma source(%dma_start3A_54 : memref<640xf32, #tpu.memory_space<vmem_shared>>) target(%arg13 : memref<640xf32, #tpu.memory_space<vmem>>) target_semaphore(%run_scoped3A : memref<!tpu.dma_semaphore, #tpu.memory_space<semaphore_mem>>)
      %dma_wait3A_55 = tpu.memref_slice %arg16[%mul3A_0] : memref<10240xf32, #tpu.memory_space<vmem_shared>> -> memref<640xf32, #tpu.memory_space<vmem_shared>>
      %dma_wait3A_56 = tpu.memref_slice %arg16[%mul3A_0] : memref<10240xf32, #tpu.memory_space<vmem_shared>> -> memref<640xf32, #tpu.memory_space<vmem_shared>>
      tpu.wait_dma2 semaphore(%run_scoped3A : memref<!tpu.dma_semaphore, #tpu.memory_space<semaphore_mem>>) src(%dma_wait3A_56 : memref<640xf32, #tpu.memory_space<vmem_shared>>) dst(%arg13 : memref<640xf32, #tpu.memory_space<vmem>>)
      tpu.yield
    }) : () -> ()
    %scan3A_47 = arith.constant 0 : i32
    %scan3A_48 = arith.constant 0 : i32
    %scan3A_49 = arith.constant 40 : i32
    %scan3A_50 = arith.addi %scan3A_48, %scan3A_49 : i32
    %scan3A_51 = arith.constant 1 : i32
    scf.for %scan3A_53 = %scan3A_48 to %scan3A_50 step %scan3A_51  : i32 {
      %mul3A_54 = arith.constant 16 : i32
      %mul3A_55 = arith.muli %scan3A_53, %mul3A_54 : i32
      %get3A = arith.index_cast %mul3A_55 : i32 to index
      %get3A_56 = tpu.vector_load %arg11[%get3A] {strides = array<i32>} : memref<640xf32, #tpu.memory_space<vmem>>, vector<16xf32>,
      %get3A_57 = arith.index_cast %mul3A_55 : i32 to index
      %get3A_58 = tpu.vector_load %arg13[%get3A_57] {strides = array<i32>} : memref<640xf32, #tpu.memory_space<vmem>>, vector<16xf32>,
      %get3A_59 = arith.index_cast %mul3A_55 : i32 to index
      %get3A_60 = tpu.vector_load %arg12[%get3A_59] {strides = array<i32>} : memref<640xf32, #tpu.memory_space<vmem>>, vector<16xf32>,
      %add3A_61 = arith.addf %get3A_58, %get3A_60 : vector<16xf32>
      %mul3A_62 = arith.mulf %get3A_56, %add3A_61 : vector<16xf32>
      %swap3A = arith.index_cast %mul3A_55 : i32 to index
      %swap3A_63 = tpu.vector_load %arg14[%swap3A] {strides = array<i32>} : memref<640xf32, #tpu.memory_space<vmem>>, vector<16xf32>,
      tpu.vector_store %arg14[%swap3A], %mul3A_62 {strides = array<i32>} : memref<640xf32, #tpu.memory_space<vmem>>, vector<16xf32>,
    }
    %scan3A_52 = arith.constant 40 : i32
    "tpu.region"() ({
      %run_scoped3A = tpu.sem_alloc : memref<!tpu.dma_semaphore, #tpu.memory_space<semaphore_mem>>
      %dma_start3A_53 = tpu.memref_slice %arg5[%mul3A_0] : memref<10240xf32, #tpu.memory_space<hbm>> -> memref<640xf32, #tpu.memory_space<hbm>>
      %dma_start3A_54 = tpu.memref_slice %arg5[%mul3A_0] : memref<10240xf32, #tpu.memory_space<hbm>> -> memref<640xf32, #tpu.memory_space<hbm>>
      tpu.enqueue_dma source(%arg14 : memref<640xf32, #tpu.memory_space<vmem>>) target(%dma_start3A_54 : memref<640xf32, #tpu.memory_space<hbm>>) target_semaphore(%run_scoped3A : memref<!tpu.dma_semaphore, #tpu.memory_space<semaphore_mem>>)
      %dma_wait3A_55 = tpu.memref_slice %arg5[%mul3A_0] : memref<10240xf32, #tpu.memory_space<hbm>> -> memref<640xf32, #tpu.memory_space<hbm>>
      %dma_wait3A_56 = tpu.memref_slice %arg5[%mul3A_0] : memref<10240xf32, #tpu.memory_space<hbm>> -> memref<640xf32, #tpu.memory_space<hbm>>
      tpu.wait_dma2 semaphore(%run_scoped3A : memref<!tpu.dma_semaphore, #tpu.memory_space<semaphore_mem>>) src(%arg14 : memref<640xf32, #tpu.memory_space<vmem>>) dst(%dma_wait3A_56 : memref<640xf32, #tpu.memory_space<hbm>>)
      tpu.yield
    }) : () -> ()
    return
  }
}

module attributes {stable_mosaic.version = 14 : i64} {
  func.func @body(%arg0: i32, %arg1: memref<10240x1xf32, #tpu.memory_space<vmem>>, %arg2: memref<10240x1xi32, #tpu.memory_space<vmem>>, %arg3: memref<1x128xf32, #tpu.memory_space<vmem>>, %arg4: memref<1x128xf32, #tpu.memory_space<vmem>>, %arg5: memref<1x128xf32, #tpu.memory_space<vmem>>, %arg6: memref<1x128xf32, #tpu.memory_space<vmem>>, %arg7: memref<16x8xf32, #tpu.memory_space<vmem>>, %arg8: memref<128x32xf32, #tpu.memory_space<vmem>>, %arg9: memref<8x32xf32, #tpu.memory_space<vmem>>, %arg10: memref<1x32xf32, #tpu.memory_space<vmem>>, %arg11: memref<32x2xf32, #tpu.memory_space<vmem>>, %arg12: memref<1x2xf32, #tpu.memory_space<vmem>>, %arg13: memref<16x2xf32, #tpu.memory_space<vmem>>) attributes {dimension_semantics = [#tpu.dimension_semantics<arbitrary>], iteration_bounds = array<i64: 1>, scalar_prefetch = 0 : i64, scratch_operands = 0 : i64, tpu.core_type = #tpu.core_type<tc>, window_params = [{pipeline_mode = #tpu.pipeline_mode<synchronous>, transform_indices = @transform_0, window_bounds = array<i64: 10240, 1>}, {transform_indices = @transform_1, window_bounds = array<i64: 10240, 1>}, {pipeline_mode = #tpu.pipeline_mode<synchronous>, transform_indices = @transform_2, window_bounds = array<i64: 1, 128>}, {pipeline_mode = #tpu.pipeline_mode<synchronous>, transform_indices = @transform_3, window_bounds = array<i64: 1, 128>}, {pipeline_mode = #tpu.pipeline_mode<synchronous>, transform_indices = @transform_4, window_bounds = array<i64: 1, 128>}, {pipeline_mode = #tpu.pipeline_mode<synchronous>, transform_indices = @transform_5, window_bounds = array<i64: 1, 128>}, {pipeline_mode = #tpu.pipeline_mode<synchronous>, transform_indices = @transform_6, window_bounds = array<i64: 16, 8>}, {pipeline_mode = #tpu.pipeline_mode<synchronous>, transform_indices = @transform_7, window_bounds = array<i64: 128, 32>}, {pipeline_mode = #tpu.pipeline_mode<synchronous>, transform_indices = @transform_8, window_bounds = array<i64: 8, 32>}, {pipeline_mode = #tpu.pipeline_mode<synchronous>, transform_indices = @transform_9, window_bounds = array<i64: 1, 32>}, {pipeline_mode = #tpu.pipeline_mode<synchronous>, transform_indices = @transform_10, window_bounds = array<i64: 32, 2>}, {pipeline_mode = #tpu.pipeline_mode<synchronous>, transform_indices = @transform_11, window_bounds = array<i64: 1, 2>}, {pipeline_mode = #tpu.pipeline_mode<synchronous>, transform_indices = @transform_12, window_bounds = array<i64: 16, 2>}]} {
    %get3A = arith.constant 0 : index
    %get3A_0 = arith.constant 0 : index
    %get3A_1 = vector.load %arg1[%get3A, %get3A_0] : memref<10240x1xf32, #tpu.memory_space<vmem>>, vector<10240x1xf32>
    %get3A_2 = arith.constant 0 : index
    %get3A_3 = arith.constant 0 : index
    %get3A_4 = vector.load %arg3[%get3A_2, %get3A_3] : memref<1x128xf32, #tpu.memory_space<vmem>>, vector<1x128xf32>
    %mul3A = vector.broadcast %get3A_1 : vector<10240x1xf32> to vector<10240x128xf32>
    %mul3A_5 = vector.broadcast %get3A_4 : vector<1x128xf32> to vector<10240x128xf32>
    %mul3A_6 = arith.mulf %mul3A, %mul3A_5 : vector<10240x128xf32>
    %get3A_7 = arith.constant 0 : index
    %get3A_8 = arith.constant 0 : index
    %get3A_9 = vector.load %arg4[%get3A_7, %get3A_8] : memref<1x128xf32, #tpu.memory_space<vmem>>, vector<1x128xf32>
    %add3A = vector.broadcast %get3A_9 : vector<1x128xf32> to vector<10240x128xf32>
    %add3A_10 = arith.addf %mul3A_6, %add3A : vector<10240x128xf32>
    %mul3A_11 = arith.constant 5.000000e-01 : f32
    %mul3A_12 = vector.broadcast %mul3A_11 : f32 to vector<10240x128xf32>
    %mul3A_13 = arith.mulf %mul3A_12, %add3A_10 : vector<10240x128xf32>
    %mul3A_14 = arith.constant 0.707106769 : f32
    %mul3A_15 = vector.broadcast %mul3A_14 : f32 to vector<10240x128xf32>
    %mul3A_16 = arith.mulf %add3A_10, %mul3A_15 : vector<10240x128xf32>
    %erf3A = math.erf %mul3A_16 : vector<10240x128xf32>
    %add3A_17 = arith.constant 1.000000e+00 : f32
    %add3A_18 = vector.broadcast %add3A_17 : f32 to vector<10240x128xf32>
    %add3A_19 = arith.addf %add3A_18, %erf3A : vector<10240x128xf32>
    %mul3A_20 = arith.mulf %mul3A_13, %add3A_19 : vector<10240x128xf32>
    %get3A_21 = arith.constant 0 : index
    %get3A_22 = arith.constant 0 : index
    %get3A_23 = vector.load %arg2[%get3A_21, %get3A_22] : memref<10240x1xi32, #tpu.memory_space<vmem>>, vector<10240x1xi32>
    %iota3A = tpu.iota {dimensions = array<i32: 1>} : vector<1x16xi32>
    %iota3A_24 = tpu.iota {dimensions = array<i32: 0>} : vector<10240x1xi32>
    %lt3A = arith.constant 10000 : i32
    %lt3A_25 = vector.broadcast %lt3A : i32 to vector<10240x1xi32>
    %lt3A_26 = arith.cmpi slt, %iota3A_24, %lt3A_25 : vector<10240x1xi32>
    %eq3A = vector.broadcast %get3A_23 : vector<10240x1xi32> to vector<10240x16xi32>
    %eq3A_27 = vector.broadcast %iota3A : vector<1x16xi32> to vector<10240x16xi32>
    %eq3A_28 = arith.cmpi eq, %eq3A, %eq3A_27 : vector<10240x16xi32>
    %and3A = vector.broadcast %lt3A_26 : vector<10240x1xi1> to vector<10240x16xi1>
    %and3A_29 = arith.andi %eq3A_28, %and3A : vector<10240x16xi1>
    %jit3A = arith.constant 1.000000e+00 : f32
    %jit3A_30 = arith.constant 0.000000e+00 : f32
    %broadcast_in_dim3A = vector.broadcast %jit3A : f32 to vector<10240x16xf32>
    %broadcast_in_dim3A_31 = vector.broadcast %jit3A_30 : f32 to vector<10240x16xf32>
    %select_n3A = arith.select %and3A_29, %broadcast_in_dim3A, %broadcast_in_dim3A_31 : vector<10240x16xi1>, vector<10240x16xf32>
    %dot_general3A = arith.constant dense<0.000000e+00> : vector<16x128xf32>
    %dot_general3A_32 = tpu.matmul %select_n3A, %mul3A_20, %dot_general3A {dimension_numbers = #tpu.dot_dimension_numbers<[0], [0], [1], [1], [0, 1, 1, 1], [], []>, transpose_lhs_hint = false} : vector<10240x16xf32>, vector<10240x128xf32>, vector<16x128xf32> -> vector<16x128xf32>
    %mul3A_33 = arith.mulf %mul3A_20, %mul3A_20 : vector<10240x128xf32>
    %dot_general3A_34 = arith.constant dense<0.000000e+00> : vector<16x128xf32>
    %dot_general3A_35 = tpu.matmul %select_n3A, %mul3A_33, %dot_general3A_34 {dimension_numbers = #tpu.dot_dimension_numbers<[0], [0], [1], [1], [0, 1, 1, 1], [], []>, transpose_lhs_hint = false} : vector<10240x16xf32>, vector<10240x128xf32>, vector<16x128xf32> -> vector<16x128xf32>
    %broadcast_in_dim3A_36 = arith.constant 1.000000e+00 : f32
    %broadcast_in_dim3A_37 = vector.broadcast %broadcast_in_dim3A_36 : f32 to vector<10240x1xf32>
    %dot_general3A_38 = arith.constant dense<0.000000e+00> : vector<16x1xf32>
    %dot_general3A_39 = tpu.matmul %select_n3A, %broadcast_in_dim3A_37, %dot_general3A_38 {dimension_numbers = #tpu.dot_dimension_numbers<[0], [0], [1], [1], [0, 1, 1, 1], [], []>, transpose_lhs_hint = false} : vector<10240x16xf32>, vector<10240x1xf32>, vector<16x1xf32> -> vector<16x1xf32>
    %reduce_sum3A = arith.constant dense<0.000000e+00> : vector<128xf32>
    %reduce_sum3A_40 = vector.multi_reduction <add>, %dot_general3A_32, %reduce_sum3A [0] : vector<16x128xf32> to vector<128xf32>
    %broadcast_in_dim3A_41 = vector.shape_cast %reduce_sum3A_40 : vector<128xf32> to vector<1x128xf32>
    %reduce_sum3A_42 = arith.constant dense<0.000000e+00> : vector<128xf32>
    %reduce_sum3A_43 = vector.multi_reduction <add>, %dot_general3A_35, %reduce_sum3A_42 [0] : vector<16x128xf32> to vector<128xf32>
    %broadcast_in_dim3A_44 = vector.shape_cast %reduce_sum3A_43 : vector<128xf32> to vector<1x128xf32>
    %div3A = arith.constant 1.000000e+04 : f32
    %div3A_45 = vector.broadcast %div3A : f32 to vector<1x128xf32>
    %div3A_46 = arith.divf %broadcast_in_dim3A_41, %div3A_45 : vector<1x128xf32>
    %div3A_47 = arith.constant 1.000000e+04 : f32
    %div3A_48 = vector.broadcast %div3A_47 : f32 to vector<1x128xf32>
    %div3A_49 = arith.divf %broadcast_in_dim3A_44, %div3A_48 : vector<1x128xf32>
    %mul3A_50 = arith.mulf %div3A_46, %div3A_46 : vector<1x128xf32>
    %sub3A = arith.subf %div3A_49, %mul3A_50 : vector<1x128xf32>
    %add3A_51 = arith.constant 9.99999974E-6 : f32
    %add3A_52 = vector.broadcast %add3A_51 : f32 to vector<1x128xf32>
    %add3A_53 = arith.addf %sub3A, %add3A_52 : vector<1x128xf32>
    %rsqrt3A = math.rsqrt %add3A_53 : vector<1x128xf32>
    %max3A = arith.constant 1.000000e+00 : f32
    %max3A_54 = vector.broadcast %max3A : f32 to vector<16x1xf32>
    %max3A_55 = arith.maximumf %dot_general3A_39, %max3A_54 : vector<16x1xf32>
    %div3A_56 = vector.broadcast %max3A_55 : vector<16x1xf32> to vector<16x128xf32>
    %div3A_57 = arith.divf %dot_general3A_32, %div3A_56 : vector<16x128xf32>
    %gt3A = arith.constant 0.000000e+00 : f32
    %gt3A_58 = vector.broadcast %gt3A : f32 to vector<16x1xf32>
    %gt3A_59 = arith.cmpf ogt, %dot_general3A_39, %gt3A_58 : vector<16x1xf32>
    %sub3A_60 = vector.broadcast %div3A_46 : vector<1x128xf32> to vector<16x128xf32>
    %sub3A_61 = arith.subf %div3A_57, %sub3A_60 : vector<16x128xf32>
    %mul3A_62 = vector.broadcast %rsqrt3A : vector<1x128xf32> to vector<16x128xf32>
    %mul3A_63 = arith.mulf %sub3A_61, %mul3A_62 : vector<16x128xf32>
    %get3A_64 = arith.constant 0 : index
    %get3A_65 = arith.constant 0 : index
    %get3A_66 = vector.load %arg5[%get3A_64, %get3A_65] : memref<1x128xf32, #tpu.memory_space<vmem>>, vector<1x128xf32>
    %mul3A_67 = vector.broadcast %get3A_66 : vector<1x128xf32> to vector<16x128xf32>
    %mul3A_68 = arith.mulf %mul3A_63, %mul3A_67 : vector<16x128xf32>
    %get3A_69 = arith.constant 0 : index
    %get3A_70 = arith.constant 0 : index
    %get3A_71 = vector.load %arg6[%get3A_69, %get3A_70] : memref<1x128xf32, #tpu.memory_space<vmem>>, vector<1x128xf32>
    %add3A_72 = vector.broadcast %get3A_71 : vector<1x128xf32> to vector<16x128xf32>
    %add3A_73 = arith.addf %mul3A_68, %add3A_72 : vector<16x128xf32>
    %jit3A_74 = arith.constant 0.000000e+00 : f32
    %broadcast_in_dim3A_75 = vector.shape_cast %gt3A_59 : vector<16x1xi1> to vector<16x1xi1>
    %broadcast_in_dim3A_76 = vector.broadcast %broadcast_in_dim3A_75 : vector<16x1xi1> to vector<16x128xi1>
    %broadcast_in_dim3A_77 = vector.broadcast %jit3A_74 : f32 to vector<16x128xf32>
    %select_n3A_78 = arith.select %broadcast_in_dim3A_76, %add3A_73, %broadcast_in_dim3A_77 : vector<16x128xi1>, vector<16x128xf32>
    %get3A_79 = arith.constant 0 : index
    %get3A_80 = arith.constant 0 : index
    %get3A_81 = vector.load %arg8[%get3A_79, %get3A_80] : memref<128x32xf32, #tpu.memory_space<vmem>>, vector<128x32xf32>
    %dot_general3A_82 = arith.constant dense<0.000000e+00> : vector<16x32xf32>
    %dot_general3A_83 = tpu.matmul %select_n3A_78, %get3A_81, %dot_general3A_82 {dimension_numbers = #tpu.dot_dimension_numbers<[1], [0], [0], [1], [0, 0, 1, 1], [], []>, transpose_lhs_hint = false} : vector<16x128xf32>, vector<128x32xf32>, vector<16x32xf32> -> vector<16x32xf32>
    %get3A_84 = arith.constant 0 : index
    %get3A_85 = arith.constant 0 : index
    %get3A_86 = vector.load %arg7[%get3A_84, %get3A_85] : memref<16x8xf32, #tpu.memory_space<vmem>>, vector<16x8xf32>
    %get3A_87 = arith.constant 0 : index
    %get3A_88 = arith.constant 0 : index
    %get3A_89 = vector.load %arg9[%get3A_87, %get3A_88] : memref<8x32xf32, #tpu.memory_space<vmem>>, vector<8x32xf32>
    %dot_general3A_90 = arith.constant dense<0.000000e+00> : vector<16x32xf32>
    %dot_general3A_91 = tpu.matmul %get3A_86, %get3A_89, %dot_general3A_90 {dimension_numbers = #tpu.dot_dimension_numbers<[1], [0], [0], [1], [0, 0, 1, 1], [], []>, transpose_lhs_hint = false} : vector<16x8xf32>, vector<8x32xf32>, vector<16x32xf32> -> vector<16x32xf32>
    %add3A_92 = arith.addf %dot_general3A_83, %dot_general3A_91 : vector<16x32xf32>
    %get3A_93 = arith.constant 0 : index
    %get3A_94 = arith.constant 0 : index
    %get3A_95 = vector.load %arg10[%get3A_93, %get3A_94] : memref<1x32xf32, #tpu.memory_space<vmem>>, vector<1x32xf32>
    %add3A_96 = vector.broadcast %get3A_95 : vector<1x32xf32> to vector<16x32xf32>
    %add3A_97 = arith.addf %add3A_92, %add3A_96 : vector<16x32xf32>
    %max3A_98 = arith.constant 0.000000e+00 : f32
    %max3A_99 = vector.broadcast %max3A_98 : f32 to vector<16x32xf32>
    %max3A_100 = arith.maximumf %add3A_97, %max3A_99 : vector<16x32xf32>
    %get3A_101 = arith.constant 0 : index
    %get3A_102 = arith.constant 0 : index
    %get3A_103 = vector.load %arg11[%get3A_101, %get3A_102] : memref<32x2xf32, #tpu.memory_space<vmem>>, vector<32x2xf32>
    %dot_general3A_104 = arith.constant dense<0.000000e+00> : vector<16x2xf32>
    %dot_general3A_105 = tpu.matmul %max3A_100, %get3A_103, %dot_general3A_104 {dimension_numbers = #tpu.dot_dimension_numbers<[1], [0], [0], [1], [0, 0, 1, 1], [], []>, transpose_lhs_hint = false} : vector<16x32xf32>, vector<32x2xf32>, vector<16x2xf32> -> vector<16x2xf32>
    %get3A_106 = arith.constant 0 : index
    %get3A_107 = arith.constant 0 : index
    %get3A_108 = vector.load %arg12[%get3A_106, %get3A_107] : memref<1x2xf32, #tpu.memory_space<vmem>>, vector<1x2xf32>
    %add3A_109 = vector.broadcast %get3A_108 : vector<1x2xf32> to vector<16x2xf32>
    %add3A_110 = arith.addf %dot_general3A_105, %add3A_109 : vector<16x2xf32>
    %neg3A = arith.constant 0.000000e+00 : f32
    %neg3A_111 = vector.broadcast %neg3A : f32 to vector<16x2xf32>
    %neg3A_112 = arith.subf %neg3A_111, %add3A_110 : vector<16x2xf32>
    %exp3A = math.exp %neg3A_112 : vector<16x2xf32>
    %add3A_113 = arith.constant 1.000000e+00 : f32
    %add3A_114 = vector.broadcast %add3A_113 : f32 to vector<16x2xf32>
    %add3A_115 = arith.addf %add3A_114, %exp3A : vector<16x2xf32>
    %div3A_116 = arith.constant 1.000000e+00 : f32
    %div3A_117 = vector.broadcast %div3A_116 : f32 to vector<16x2xf32>
    %div3A_118 = arith.divf %div3A_117, %add3A_115 : vector<16x2xf32>
    %swap3A = arith.constant 0 : index
    %swap3A_119 = arith.constant 0 : index
    %swap3A_120 = vector.load %arg13[%swap3A, %swap3A_119] : memref<16x2xf32, #tpu.memory_space<vmem>>, vector<16x2xf32>
    tpu.vector_store %arg13[%swap3A, %swap3A_119], %div3A_118 {strides = array<i32>} : memref<16x2xf32, #tpu.memory_space<vmem>>, vector<16x2xf32>,
    return
  }
  func.func @transform_0(%arg0: i32) -> (i32, i32) {
    %c0_i32 = arith.constant 0 : i32
    %c0_i32_0 = arith.constant 0 : i32
    %c0_i32_1 = arith.constant 0 : i32
    return %c0_i32, %c0_i32_0 : i32, i32
  }
  func.func @transform_1(%arg0: i32) -> (i32, i32) {
    %c0_i32 = arith.constant 0 : i32
    %c0_i32_0 = arith.constant 0 : i32
    %c0_i32_1 = arith.constant 0 : i32
    return %c0_i32, %c0_i32_0 : i32, i32
  }
  func.func @transform_2(%arg0: i32) -> (i32, i32) {
    %c0_i32 = arith.constant 0 : i32
    %c0_i32_0 = arith.constant 0 : i32
    %c0_i32_1 = arith.constant 0 : i32
    return %c0_i32, %c0_i32_0 : i32, i32
  }
  func.func @transform_3(%arg0: i32) -> (i32, i32) {
    %c0_i32 = arith.constant 0 : i32
    %c0_i32_0 = arith.constant 0 : i32
    %c0_i32_1 = arith.constant 0 : i32
    return %c0_i32, %c0_i32_0 : i32, i32
  }
  func.func @transform_4(%arg0: i32) -> (i32, i32) {
    %c0_i32 = arith.constant 0 : i32
    %c0_i32_0 = arith.constant 0 : i32
    %c0_i32_1 = arith.constant 0 : i32
    return %c0_i32, %c0_i32_0 : i32, i32
  }
  func.func @transform_5(%arg0: i32) -> (i32, i32) {
    %c0_i32 = arith.constant 0 : i32
    %c0_i32_0 = arith.constant 0 : i32
    %c0_i32_1 = arith.constant 0 : i32
    return %c0_i32, %c0_i32_0 : i32, i32
  }
  func.func @transform_6(%arg0: i32) -> (i32, i32) {
    %c0_i32 = arith.constant 0 : i32
    %c0_i32_0 = arith.constant 0 : i32
    %c0_i32_1 = arith.constant 0 : i32
    return %c0_i32, %c0_i32_0 : i32, i32
  }
  func.func @transform_7(%arg0: i32) -> (i32, i32) {
    %c0_i32 = arith.constant 0 : i32
    %c0_i32_0 = arith.constant 0 : i32
    %c0_i32_1 = arith.constant 0 : i32
    return %c0_i32, %c0_i32_0 : i32, i32
  }
  func.func @transform_8(%arg0: i32) -> (i32, i32) {
    %c0_i32 = arith.constant 0 : i32
    %c0_i32_0 = arith.constant 0 : i32
    %c0_i32_1 = arith.constant 0 : i32
    return %c0_i32, %c0_i32_0 : i32, i32
  }
  func.func @transform_9(%arg0: i32) -> (i32, i32) {
    %c0_i32 = arith.constant 0 : i32
    %c0_i32_0 = arith.constant 0 : i32
    %c0_i32_1 = arith.constant 0 : i32
    return %c0_i32, %c0_i32_0 : i32, i32
  }
  func.func @transform_10(%arg0: i32) -> (i32, i32) {
    %c0_i32 = arith.constant 0 : i32
    %c0_i32_0 = arith.constant 0 : i32
    %c0_i32_1 = arith.constant 0 : i32
    return %c0_i32, %c0_i32_0 : i32, i32
  }
  func.func @transform_11(%arg0: i32) -> (i32, i32) {
    %c0_i32 = arith.constant 0 : i32
    %c0_i32_0 = arith.constant 0 : i32
    %c0_i32_1 = arith.constant 0 : i32
    return %c0_i32, %c0_i32_0 : i32, i32
  }
  func.func @transform_12(%arg0: i32) -> (i32, i32) {
    %c0_i32 = arith.constant 0 : i32
    %c0_i32_0 = arith.constant 0 : i32
    %c0_i32_1 = arith.constant 0 : i32
    return %c0_i32, %c0_i32_0 : i32, i32
  }
}

</mosaic_0001>

<sc_bundles>
// kernel: kernel.4.cloned.1.call-start
scs
__scs_entry_jumppad:
0x0: {  	(pc) =	sbr.rel $0x88, $3  }
0x1: {  	(tag) =	ssettag $0x0;
	lr =	simm.s32 $0x1  }
0x2: {  	[smem:$0x3F95] =	sst lr;
	_ =	strace $0xD0000000  }
0x3: {  	_ = 	snop  }
0x4: {  	_ = 	snop  }
0x5: {  	_ = 	snop  }
0x6: {  	_ = 	snop  }
0x7: {  	_ = 	snop  }
__scs_overlays_trampoline_lowered:
0x8: {  	[smem:$0x3FA4] =	sst s0  }
0x9: {  	[smem:$0x3FA5] =	sst s1  }
0xa: {  	[smem:$0x3FA6] =	sst s2  }
0xb: {  	[smem:$0x3FA7] =	sst s3  }
0xc: {  	[smem:$0x3FA8] =	sst s4  }
0xd: {  	[smem:$0x3FA9] =	sst s5  }
0xe: {  	[smem:$0x3FAA] =	sst s6  }
0xf: {  	[smem:$0x3FAB] =	sst s7  }
0x10: {  	[smem:$0x3FAC] =	sst s8  }
0x11: {  	[smem:$0x3FAD] =	sst s9;
	s0 =	simm.s32 @!p0 $0x0  }
0x12: {  	s1 =	sld [smem:$0x3F93];
	s0 =	simm.s32 @p0 $0x1  }
0x13: {  	[smem:$0x3FAE] =	sst s0;
	s0 =	simm.s32 @!p1 $0x0  }
0x14: {  	s2 =	sld [smem:$0x3F92];
	s0 =	simm.s32 @p1 $0x1  }
0x15: {  	[smem:$0x3FAF] =	sst s0;
	s0 =	simm.s32 @!p2 $0x0  }
0x16: {  	s3 =	sld [smem:$0x3FDB];
	s0 =	simm.s32 @p2 $0x1  }
0x17: {  	s4 =	simm.s32 $0x1BF5;
	[smem:$0x3FB1] =	sst s0  }
0x18: {  	s0 =	sld [smem:$0x3F94];
	_ =	swait.ge [sflag:s4], $0x0  }
0x19: {  	s7 =	sld [smem:$0x3F95]  }
0x1a: {  	s8 =	sadd.s32 $0xFFFFE003, lr  }
0x1b: {  	s9 =	sadd.s32 $0xFFFFFEF7, lr;
	s5 =	simm.s32 $0xFFFFFFFF;
	p2 =	slt.u32 s8, $0xFFFFF086  }
0x1c: {  	p1 =	slt.u32 s9, $0xF7A;
	s5 =	simm.s32 @!p2 $0x0  }
0x1d: {  	s5 =	simm.s32 @p1 $0x1;
	p0 =	seq.s32 s7, s2  }
0x1e: {  	s7 =	smul.u32 @!p0 $0xF7A, s2;
	p2 =	seq.s32 @!p0 s5, $0x0  }
0x1f: {  	s9 =	smul.u32 $0xF7A, s1;
	s8 =	simm.s32 @!p0 $0x1BF5;
	p2 =	por !p2, p0  }
0x20: {  	[sflag:s8] =	ssyncset.s32 @!p0 $0xFFFFF086;
	s6 =	sadd.s32 @!p0 s3, s7;
	s7 =	simm.s32 @!p0 $0x108  }
0x21: {  	s3 =	sadd.s32 s3, s9;
	s6 =	sadd.s32 @!p0 $0x88, s6;
	s7 =	simm.s32 @p2 $0x1082  }
0x22: {  	[simem:s7], [sflag:s8] =	dma.local @!p0 [hbm:s6], $0xF7A  }
0x23: {  	s9 =	sor.u32 $0xD0000000, s2;
	s6 =	simm.s32 $0x108;
	_ =	swait.ge @!p0 [sflag:s8], $0x0  }
0x24: {  	s3 =	sadd.s32 $0x88, s3;
	s6 =	simm.s32 @!p1 $0x1082;
	[sflag:s4] =	ssyncset.s32 $0xFFFFF086  }
0x25: {  	[simem:s6], [sflag:s4] =	dma.local [hbm:s3], $0xF7A  }
0x26: {  	[smem:$0x3F95] =	sst s1;
	(tag) =	ssettag s2;
	_ =	strace s9  }
0x27: {  	s1 =	sld [smem:$0x3FA5]  }
0x28: {  	s2 =	sld [smem:$0x3FA6]  }
0x29: {  	s4 =	sld [smem:$0x3FA8]  }
0x2a: {  	p0 =	seq.s32 s5, $0x0;
	s5 =	sld [smem:$0x3FA9]  }
0x2b: {  	s6 =	sld [smem:$0x3FAA]  }
0x2c: {  	s7 =	sld [smem:$0x3FAB]  }
0x2d: {  	s3 =	simm.s32 $0x108;
	s8 =	sld [smem:$0x3FAC]  }
0x2e: {  	s3 =	simm.s32 @!p0 $0x1082;
	s9 =	sld [smem:$0x3FAD]  }
0x2f: {  	lr =	sadd.s32 s0, s3;
	s0 =	sld [smem:$0x3FA4]  }
0x30: {  	s3 =	sld [smem:$0x3FA7]  }
0x31: {  	[smem:$0x3FB0] =	sst s10  }
0x32: {  	s10 =	sld [smem:$0x3FAE];
	_ =	sdelay $0x3  }
0x33: {  	p0 =	seq.s32 s10, $0x1;
	s10 =	sld [smem:$0x3FB0];
	_ =	sdelay $0x3  }
0x34: {  	[smem:$0x3FB0] =	sst s10  }
0x35: {  	s10 =	sld [smem:$0x3FAF];
	_ =	sdelay $0x3  }
0x36: {  	p1 =	seq.s32 s10, $0x1;
	s10 =	sld [smem:$0x3FB0];
	_ =	sdelay $0x3  }
0x37: {  	[smem:$0x3FB0] =	sst s10  }
0x38: {  	s10 =	sld [smem:$0x3FB1]  }
0x39: {  	_ = 	snop;
	(pc) =	sbr.ind lr, $3  }
0x3a: {  	_ = 	snop  }
0x3b: {  	_ = 	snop  }
0x3c: {  	p2 =	seq.s32 s10, $0x1;
	s10 =	sld [smem:$0x3FB0]  }
0x3d: {  	_ =	shalt  }
0x3e: {  	_ =	shalt  }
0x3f: {  	_ =	shalt  }
0x40: {  	_ =	shalt  }
0x41: {  	_ =	shalt  }
0x42: {  	_ =	shalt  }
0x43: {  	_ =	shalt  }
0x44: {  	_ =	shalt  }
0x45: {  	_ =	shalt  }
0x46: {  	_ =	shalt  }
0x47: {  	_ =	shalt  }
0x48: {  	_ =	shalt  }
0x49: {  	_ =	shalt  }
0x4a: {  	_ =	shalt  }
0x4b: {  	_ =	shalt  }
0x4c: {  	_ =	shalt  }
0x4d: {  	_ =	shalt  }
0x4e: {  	_ =	shalt  }
0x4f: {  	_ =	shalt  }
0x50: {  	_ =	shalt  }
0x51: {  	_ =	shalt  }
0x52: {  	_ =	shalt  }
0x53: {  	_ =	shalt  }
0x54: {  	_ =	shalt  }
0x55: {  	_ =	shalt  }
0x56: {  	_ =	shalt  }
0x57: {  	_ =	shalt  }
0x58: {  	_ =	shalt  }
0x59: {  	_ =	shalt  }
0x5a: {  	_ =	shalt  }
0x5b: {  	_ =	shalt  }
0x5c: {  	_ =	shalt  }
0x5d: {  	_ =	shalt  }
0x5e: {  	_ =	shalt  }
0x5f: {  	_ =	shalt  }
0x60: {  	_ =	shalt  }
0x61: {  	_ =	shalt  }
0x62: {  	_ =	shalt  }
0x63: {  	_ =	shalt  }
0x64: {  	_ =	shalt  }
0x65: {  	_ =	shalt  }
0x66: {  	_ =	shalt  }
0x67: {  	_ =	shalt  }
0x68: {  	_ =	shalt  }
0x69: {  	_ =	shalt  }
0x6a: {  	_ =	shalt  }
0x6b: {  	_ =	shalt  }
0x6c: {  	_ =	shalt  }
0x6d: {  	_ =	shalt  }
0x6e: {  	_ =	shalt  }
0x6f: {  	_ =	shalt  }
0x70: {  	_ =	shalt  }
0x71: {  	_ =	shalt  }
0x72: {  	_ =	shalt  }
0x73: {  	_ =	shalt  }
0x74: {  	_ =	shalt  }
0x75: {  	_ =	shalt  }
0x76: {  	_ =	shalt  }
0x77: {  	_ =	shalt  }
0x78: {  	_ =	shalt  }
0x79: {  	_ =	shalt  }
0x7a: {  	_ =	shalt  }
0x7b: {  	_ =	shalt  }
0x7c: {  	_ =	shalt  }
0x7d: {  	_ =	shalt  }
0x7e: {  	_ =	shalt  }
0x7f: {  	_ =	shalt  }
0x80: {  	_ =	shalt  }
0x81: {  	_ =	shalt  }
0x82: {  	_ =	shalt  }
0x83: {  	_ =	shalt  }
0x84: {  	_ =	shalt  }
0x85: {  	_ =	shalt  }
0x86: {  	_ =	shalt  }
0x87: {  	_ =	shalt  }
.Lfunc_end0:
.L_simem_size_0:
called_computation_lowered:
.L_overlay_start_0:
0x88: {  	s0 =	sld [smem:$0x3FD9]  }
0x89: {  	s1 =	sld [smem:$0x3FFE];
	_ =	sdelay $0x3  }
0x8a: {  	s0 =	sadd.s32 s1, s0  }
0x8b: {  	[smem:$0x3FBC] =	sst s0  }
0x8c: {  	_ = 	snop  }
0x8d: {  	(tm) =	ssettm $0x1  }
0x8e: {  	s15 =	sld [smem:$0x3FFB];
	_ =	sdelay $0x3  }
0x8f: {  	_ =	strace s15  }
0x90: {  	s0 =	sld [smem:$0x3FFC];
	_ =	sdelay $0x3  }
0x91: {  	_ =	strace s0  }
0x92: {  	s0 =	sld [smem:$0x3FFD];
	_ =	sdelay $0x3  }
0x93: {  	_ =	strace s0  }
0x94: {  	_ =	strace $0x8FFFFFFF  }
0x95: {  	s16 =	sld [smem:$0x3FDB];
	_ =	sdelay $0x1  }
0x96: {  	s17 =	simm.s32 $_scs_section_size  }
0x97: {  	s2 =	simm.s32 $_size__tile_overlayer_lowered;
	s3 =	simm.s32 $_tile_overlayer_lowered  }
0x98: {  	s20 =	simm.s32 $0x1BFF;
	s19 =	sshll.u32 s3, $0x1;
	s0 =	sadd.s32 s17, s16  }
0x99: {  	s4 =	simm.s32 $0x0;
	s18 =	sshll.u32 s2, $0x1;
	s2 =	sadd.s32 s19, s0  }
0x9a: {  	[timem:s4], [sflag:s20] =	dma.local [hbm:s2], s18  }
0x9b: {  	_ =	swait.ge [sflag:s20], s18  }
0x9c: {  	s1 =	ssub.s32 $0x0, s18;
	[sflag:s20] =	ssyncset.done $0x0  }
0x9d: {  	[sflag:s20] =	ssyncadd.s32 s1;
	_ =	sdelay $0x1  }
0x9e: {  	s21 =	simm.s32 $0x1B8B  }
0x9f: {  	_ =	swait.ge [sflag:s21], $0x1  }
0xa0: {  	[sflag:s21] =	ssyncset.done $0x0  }
0xa1: {  	s23 =	simm.s32 $0x1B8E;
	s22 =	sld [smem:$0x3FFE];
	[sflag:s21] =	ssyncadd.s32 $0xFFFFFFFF  }
0xa2: {  	s24 =	simm.s32 $execute0_lowered;
	[smem:$0x3FD2] =	sst s23  }
0xa3: {  	s2 =	sshll.u32 s24, $0x1;
	_ =	strace $0x80000046;
	[dreg:$0x1] =	wrdreg $0xFFFFFFFF  }
0xa4: {  	s25 =	simm.s32 $_size_execute0_lowered;
	s0 =	sadd.s32 s0, s2;
	[dreg:$0x0] =	wrdreg $0x0  }
0xa5: {  	s2 =	sshll.u32 s25, $0x1;
	[dreg:$0x2] =	wrdreg s0  }
0xa6: {  	[dreg:$0x3] =	wrdreg s2  }
0xa7: {  	[dreg:$0x4] =	wrdreg $0xC0  }
0xa8: {  	_ =	task [dreg:s4], $0x5FFFF  }
0xa9: {  	[dreg:$0x1] =	wrdreg $0xFFFFFFFF  }
0xaa: {  	[dreg:$0x0] =	wrdreg $0x60  }
0xab: {  	[dreg:$0x2] =	wrdreg s22  }
0xac: {  	[dreg:$0x3] =	wrdreg $0xFA800  }
0xad: {  	[dreg:$0x4] =	wrdreg $0xFD000  }
0xae: {  	[dreg:$0x5] =	wrdreg $0xFF800  }
0xaf: {  	[dreg:$0x6] =	wrdreg $0x9  }
0xb0: {  	_ =	task.clear_ibuf [dreg:s4], $0x7FFFF;
	_ =	strace $0x90000046  }
0xb1: {  	s26 =	simm.s32 $0x9;
	_ =	strace $0x80000048  }
0xb2: {  	_ =	swait.ge [sflag:s26], $0x1  }
0xb3: {  	[sflag:s26] =	ssyncadd.s32 $0xFFFFFFFF  }
0xb4: {  	_ =	strace $0x90000048  }
0xb5: {  	_ =	sfence  }
0xb6: {  	s28 =	sld [smem:$0x0];
	_ =	sdelay $0x1  }
0xb7: {  	s29 =	srdreg.scid  }
0xb8: {  	s30 =	sshll.u32 s29, $0xD;
	s31 =	sshrl.u32 s29, $0x2  }
0xb9: {  	s1 =	sand.u32 $0x1, s29;
	s2 =	sand.u32 $0x4000, s30;
	s0 =	sadd.s32 s31, s28  }
0xba: {  	s1 =	sor.u32 s2, s1;
	s0 =	sshll.u32 s0, $0x11  }
0xbb: {  	s0 =	sor.u32 s0, s1  }
0xbc: {  	s0 =	sadd.s32 $0x8F2B, s0  }
0xbd: {  	[sflag:s0] =	ssyncadd.remote.s32 $0x1  }
0xbe: {  	_ =	sfence.sel $0xFFFF  }
0xbf: {  	[dreg:$0x0] =	wrdreg $0xFFFFFFFF;
	(pc) =	sbr.abs _section_cstart, $3  }
0xc0: {  	[dreg:$0x1] =	wrdreg $0xFFFFFFFF  }
0xc1: {  	_ =	task.clear_ibuf [dreg:s4], $0x2FFFF;
	_ =	strace $0x9FFFFFFF  }
0xc2: {  	(tm) =	ssettm $0x7FFFFFFF  }
0xc3: {  	_ =	shalt  }
tec
execute0_lowered:
.L_overlay_start_1:
0x0: {  	(tag) =	ssettag $0x1  }
0x1: {  	s5 =	rddreg [dreg:$0x0]  }
0x2: {  	s6 =	rddreg [dreg:$0x1];
	s0 =	stileid.u32  }
0x3: {  	s2 =	rddreg [dreg:$0x2];
	s4 =	smul.u32 $0x4E20, s0  }
0x4: {  	s3 =	rddreg [dreg:$0x3]  }
0x5: {  	s1 =	rddreg [dreg:$0x4];
	s11 =	simm.s32 $0x0;
	s4 =	sshrl.u32 s4, $0x3  }
0x6: {  	s7 =	simm.s32 $0x4E80;
	[smem:$0x7FF] =	sst s11;
	s4 =	sadd.s32 s4, s5  }
0x7: {  	s10 =	simm.s32 $0x9D00;
	_ =	strace $0x80000047;
	s8 =	sadd.s32 $0xB840, s4  }
0x8: {  	[tilespmem:s7], [sflag:$0x1] =	stream.linear.gather [hbm4b:s8+s11], $0x4E20, $0x38;
	[tilespmem:$0x10200] =	vst v63  }
0x9: {  	s12 =	sadd.s32 $0x15600, s5;
	s9 =	sadd.s32 $0x15C00, s5;
	s24 =	smul.u32 $0x280, s0  }
0xa: {  	[tilespmem:s10], [sflag:$0x2] =	stream.linear.gather [hbm4b:s9+s11], $0x4E80, $0x38;
	[tilespmem:$0x10200] =	vst v63  }
0xb: {  	p0 =	sne.s32 s0, $0xF;
	s4 =	sadd.s32 $0x1C00, s4;
	s9 =	sshrl.u32 s24, $0x3  }
0xc: {  	[tilespmem:s11], [sflag:$0x3] =	stream.linear.gather [hbm4b:s4+s11], $0x4E20, $0x38;
	[tilespmem:$0x10200] =	vst v63  }
0xd: {  	s4 =	sadd.s32 @p0 s12, s9;
	s11 =	simm.s32 @p0 $0x0;
	s12 =	simm.s32 @p0 $0xEB80  }
0xe: {  	v0 =	vimm.f32 @!p0 $0.0e+00;
	[tilespmem:s12], [sflag:$0x4] =	stream.linear.gather @p0 [hbm4b:s4+s11], $0x280, $0x38;
	[tilespmem:$0x10200] =	vst v63  }
0xf: {  	[tilespmem:$0xEB80] =	vst @!p0 v0  }
0x10: {  	[tilespmem:$0xEB90] =	vst @!p0 v0  }
0x11: {  	[tilespmem:$0xEBA0] =	vst @!p0 v0  }
0x12: {  	[tilespmem:$0xEBB0] =	vst @!p0 v0  }
0x13: {  	[tilespmem:$0xEBC0] =	vst @!p0 v0  }
0x14: {  	[tilespmem:$0xEBD0] =	vst @!p0 v0  }
0x15: {  	[tilespmem:$0xEBE0] =	vst @!p0 v0  }
0x16: {  	[tilespmem:$0xEBF0] =	vst @!p0 v0  }
0x17: {  	[tilespmem:$0xEC00] =	vst @!p0 v0  }
0x18: {  	[tilespmem:$0xEC10] =	vst @!p0 v0  }
0x19: {  	[tilespmem:$0xEC20] =	vst @!p0 v0  }
0x1a: {  	[tilespmem:$0xEC30] =	vst @!p0 v0  }
0x1b: {  	[tilespmem:$0xEC40] =	vst @!p0 v0  }
0x1c: {  	[tilespmem:$0xEC50] =	vst @!p0 v0  }
0x1d: {  	[tilespmem:$0xEC60] =	vst @!p0 v0  }
0x1e: {  	[tilespmem:$0xEC70] =	vst @!p0 v0  }
0x1f: {  	[tilespmem:$0xEC80] =	vst @!p0 v0  }
0x20: {  	[tilespmem:$0xEC90] =	vst @!p0 v0  }
0x21: {  	[tilespmem:$0xECA0] =	vst @!p0 v0  }
0x22: {  	[tilespmem:$0xECB0] =	vst @!p0 v0  }
0x23: {  	[tilespmem:$0xECC0] =	vst @!p0 v0  }
0x24: {  	[tilespmem:$0xECD0] =	vst @!p0 v0  }
0x25: {  	[tilespmem:$0xECE0] =	vst @!p0 v0  }
0x26: {  	[tilespmem:$0xECF0] =	vst @!p0 v0  }
0x27: {  	[tilespmem:$0xED00] =	vst @!p0 v0  }
0x28: {  	[tilespmem:$0xED10] =	vst @!p0 v0  }
0x29: {  	[tilespmem:$0xED20] =	vst @!p0 v0  }
0x2a: {  	[tilespmem:$0xED30] =	vst @!p0 v0  }
0x2b: {  	[tilespmem:$0xED40] =	vst @!p0 v0  }
0x2c: {  	[tilespmem:$0xED50] =	vst @!p0 v0  }
0x2d: {  	[tilespmem:$0xED60] =	vst @!p0 v0  }
0x2e: {  	[tilespmem:$0xED70] =	vst @!p0 v0  }
0x2f: {  	[tilespmem:$0xED80] =	vst @!p0 v0  }
0x30: {  	[tilespmem:$0xED90] =	vst @!p0 v0  }
0x31: {  	[tilespmem:$0xEDA0] =	vst @!p0 v0  }
0x32: {  	[tilespmem:$0xEDB0] =	vst @!p0 v0  }
0x33: {  	[tilespmem:$0xEDC0] =	vst @!p0 v0  }
0x34: {  	[tilespmem:$0xEDD0] =	vst @!p0 v0  }
0x35: {  	[tilespmem:$0xEDE0] =	vst @!p0 v0  }
0x36: {  	[tilespmem:$0xEDF0] =	vst @!p0 v0;
	v0 =	vimm.f32 $0.0e+00  }
0x37: {  	[tilespmem:$0xF800] =	vst v0  }
0x38: {  	[tilespmem:$0xF810] =	vst v0  }
0x39: {  	[tilespmem:$0xF820] =	vst v0  }
0x3a: {  	[tilespmem:$0xF830] =	vst v0  }
0x3b: {  	[tilespmem:$0xF840] =	vst v0  }
0x3c: {  	[tilespmem:$0xF850] =	vst v0  }
0x3d: {  	[tilespmem:$0xF860] =	vst v0  }
0x3e: {  	[tilespmem:$0xF870] =	vst v0  }
0x3f: {  	[tilespmem:$0xF880] =	vst v0  }
0x40: {  	[tilespmem:$0xF890] =	vst v0  }
0x41: {  	[tilespmem:$0xF8A0] =	vst v0  }
0x42: {  	[tilespmem:$0xF8B0] =	vst v0  }
0x43: {  	[tilespmem:$0xF8C0] =	vst v0  }
0x44: {  	[tilespmem:$0xF8D0] =	vst v0  }
0x45: {  	[tilespmem:$0xF8E0] =	vst v0  }
0x46: {  	[tilespmem:$0xF8F0] =	vst v0  }
0x47: {  	[tilespmem:$0xF900] =	vst v0  }
0x48: {  	[tilespmem:$0xF910] =	vst v0  }
0x49: {  	[tilespmem:$0xF920] =	vst v0  }
0x4a: {  	[tilespmem:$0xF930] =	vst v0  }
0x4b: {  	[tilespmem:$0xF940] =	vst v0  }
0x4c: {  	[tilespmem:$0xF950] =	vst v0  }
0x4d: {  	[tilespmem:$0xF960] =	vst v0  }
0x4e: {  	[tilespmem:$0xF970] =	vst v0  }
0x4f: {  	[tilespmem:$0xF980] =	vst v0  }
0x50: {  	[tilespmem:$0xF990] =	vst v0  }
0x51: {  	[tilespmem:$0xF9A0] =	vst v0  }
0x52: {  	[tilespmem:$0xF9B0] =	vst v0  }
0x53: {  	[tilespmem:$0xF9C0] =	vst v0  }
0x54: {  	[tilespmem:$0xF9D0] =	vst v0  }
0x55: {  	[tilespmem:$0xF9E0] =	vst v0  }
0x56: {  	[tilespmem:$0xF9F0] =	vst v0  }
0x57: {  	[tilespmem:$0xFA00] =	vst v0  }
0x58: {  	[tilespmem:$0xFA10] =	vst v0  }
0x59: {  	[tilespmem:$0xFA20] =	vst v0  }
0x5a: {  	[tilespmem:$0xFA30] =	vst v0  }
0x5b: {  	[tilespmem:$0xFA40] =	vst v0  }
0x5c: {  	[tilespmem:$0xFA50] =	vst v0  }
0x5d: {  	[tilespmem:$0xFA60] =	vst v0  }
0x5e: {  	s26 =	simm.s32 $0xF800;
	s13 =	simm.s32 $0x5;
	s25 =	sadd.s32 s24, s6;
	[tilespmem:$0xFA70] =	vst v0  }
0x5f: {  	[spmem:s25] =	stream.linear.scatter [tilespmem:s26], [sflag:$0x5], $0x280, $0x38;
	[tilespmem:$0x10200] =	vst v63  }
0x60: {  	_ =	swait.ge [sflag:s13], $0x280  }
0x61: {  	[sflag:s13] =	ssyncset.done $0x0  }
0x62: {  	s4 =	sadd.s32 s24, s2;
	[sflag:s13] =	ssyncadd.s32 $0xFFFFFD80  }
0x63: {  	[spmem:s4] =	stream.linear.scatter [tilespmem:s26], [sflag:$0x5], $0x280, $0x38;
	[tilespmem:$0x10200] =	vst v63  }
0x64: {  	_ =	swait.ge [sflag:s13], $0x280  }
0x65: {  	s28 =	simm.s32 $0x1;
	s14 =	simm.s32 @!p0 $0x0;
	[sflag:s13] =	ssyncset.done $0x0  }
0x66: {  	s15 =	simm.s32 @!p0 $0xEB80;
	s12 =	sadd.s32 $0x15AB0, s5;
	[sflag:s13] =	ssyncadd.s32 $0xFFFFFD80  }
0x67: {  	[tilespmem:s15], [sflag:$0x4] =	stream.linear.gather @!p0 [hbm4b:s12+s14], $0x190, $0x38;
	[tilespmem:$0x10200] =	vst v63  }
0x68: {  	_ =	swait.ge [sflag:s28], $0x4E20  }
0x69: {  	[sflag:s28] =	ssyncset.done $0x0  }
0x6a: {  	s29 =	simm.s32 $0x2;
	[sflag:s28] =	ssyncadd.s32 $0xFFFFB1E0  }
0x6b: {  	_ =	swait.ge [sflag:s29], $0x4E80  }
0x6c: {  	[sflag:s29] =	ssyncset.done $0x0  }
0x6d: {  	[sflag:s29] =	ssyncadd.s32 $0xFFFFB180  }
0x6e: {  	s30 =	simm.s32 $0x4E20;
	[bflag:$0x0] =	sbarrier.arrive $0xFFFF  }
0x6f: {  	[spmem:s6] =	stream.indirect.scatter.add.f32 [tilespmem:s10], [sflag:$0x5], $0x1, s7, s30, $0xb8;
	[tilespmem:$0x10200] =	vst v63  }
0x70: {  	_ =	swait.ge [sflag:s13], $0x4E20  }
0x71: {  	[sflag:s13] =	ssyncset.done $0x0  }
0x72: {  	[sflag:s13] =	ssyncadd.s32 $0xFFFFB1E0  }
0x73: {  	s31 =	simm.s32 $0xEE00;
	[bflag:$0x0] =	sbarrier.arrive $0xFFFF  }
0x74: {  	[tilespmem:s31], [sflag:$0x5] =	stream.linear.gather [spmem:s25], $0x280, $0x38;
	[tilespmem:$0x10200] =	vst v63  }
0x75: {  	_ =	swait.ge [sflag:s13], $0x280  }
0x76: {  	p0 =	seq.s32 s0, $0xF;
	[sflag:s13] =	ssyncset.done $0x0  }
0x77: {  	s6 =	simm.s32 @p0 $0x4;
	[sflag:s13] =	ssyncadd.s32 $0xFFFFFD80  }
0x78: {  	_ =	swait.ge @p0 [sflag:s6], $0x190  }
0x79: {  	[sflag:s6] =	ssyncset.done @p0 $0x0  }
0x7a: {  	[sflag:s6] =	ssyncadd.s32 @p0 $0xFFFFFE70;
	s6 =	simm.s32 @!p0 $0x4  }
0x7b: {  	_ =	swait.ge @!p0 [sflag:s6], $0x280  }
0x7c: {  	[sflag:s6] =	ssyncset.done @!p0 $0x0  }
0x7d: {  	[sflag:s6] =	ssyncadd.s32 @!p0 $0xFFFFFD80;
	s6 =	simm.s32 $0x0  }
0x7e: {  	v0 =	vld [tilespmem:s6+$0xEE00];
	_ =	sdelay $0x4  }
0x7f: {  	v0 =	vadd.f32 $1.000000000e+00, v0;
	_ =	sdelay $0x1  }
0x80: {  	v1 =	vimm.f32 $9.765625000e-04;
	vm0 =	vlt.f32 v0, $2.621440000e+05  }
0x81: {  	vm1 =	vlt.f32 v0, $6.553600000e+04;
	v2 =	vsel vm0, $0x3B000000, v1  }
0x82: {  	vm10 =	vlt.f32 v0, $1.638400000e+04;
	v2 =	vsel vm1, $0x3B800000, v2  }
0x83: {  	vm11 =	vlt.f32 v0, $4.096000000e+03;
	v2 =	vsel vm10, $0x3C000000, v2  }
0x84: {  	vm12 =	vlt.f32 v0, $1.024000000e+03;
	v2 =	vsel vm11, $0x3C800000, v2  }
0x85: {  	vm13 =	vlt.f32 v0, $2.560000000e+02;
	v2 =	vsel vm12, $0x3D000000, v2  }
0x86: {  	vm14 =	vlt.f32 v0, $6.400000000e+01;
	v2 =	vsel vm13, $0x3D800000, v2  }
0x87: {  	vm15 =	vlt.f32 v0, $1.600000000e+01;
	v2 =	vsel vm14, $0x3E000000, v2  }
0x88: {  	s7 =	simm.s32 $0x10;
	vm4 =	vlt.f32 v0, $4.000000000e+00;
	v3 =	vmul.f32 $5.000000000e-01, v0;
	v2 =	vsel vm15, $0x3E800000, v2  }
0x89: {  	v0 =	vld [tilespmem:s7+$0xEE00];
	v2 =	vsel vm4, $0x3F000000, v2  }
0x8a: {  	v4 =	vmul.f32 v2, v3;
	_ =	sdelay $0x1  }
0x8b: {  	v4 =	vmul.f32 v4, v2;
	_ =	sdelay $0x1  }
0x8c: {  	v0 =	vadd.f32 $1.000000000e+00, v0;
	v4 =	vsub.f32 $1.500000000e+00, v4;
	_ =	sdelay $0x1  }
0x8d: {  	vm5 =	vlt.f32 v0, $2.621440000e+05;
	v2 =	vmul.f32 v4, v2  }
0x8e: {  	vm6 =	vlt.f32 v0, $6.553600000e+04;
	v4 =	vsel vm5, $0x3B000000, v1  }
0x8f: {  	vm7 =	vlt.f32 v0, $1.638400000e+04;
	v4 =	vsel vm6, $0x3B800000, v4;
	v5 =	vmul.f32 v2, v3  }
0x90: {  	vm8 =	vlt.f32 v0, $4.096000000e+03;
	v4 =	vsel vm7, $0x3C000000, v4  }
0x91: {  	vm9 =	vlt.f32 v0, $1.024000000e+03;
	v4 =	vsel vm8, $0x3C800000, v4;
	v5 =	vmul.f32 v5, v2  }
0x92: {  	vm10 =	vlt.f32 v0, $2.560000000e+02;
	v4 =	vsel vm9, $0x3D000000, v4  }
0x93: {  	vm11 =	vlt.f32 v0, $6.400000000e+01;
	v4 =	vsel vm10, $0x3D800000, v4;
	v5 =	vsub.f32 $1.500000000e+00, v5  }
0x94: {  	s10 =	simm.s32 $0x20;
	vm12 =	vlt.f32 v0, $4.000000000e+00;
	vm2 =	vlt.f32 v0, $1.600000000e+01;
	v4 =	vsel vm11, $0x3E000000, v4  }
0x95: {  	v6 =	vld [tilespmem:s10+$0xEE00];
	v0 =	vmul.f32 $5.000000000e-01, v0;
	v4 =	vsel vm2, $0x3E800000, v4;
	v2 =	vmul.f32 v5, v2  }
0x96: {  	v4 =	vsel vm12, $0x3F000000, v4  }
0x97: {  	v5 =	vmul.f32 v4, v0;
	v7 =	vmul.f32 v2, v3;
	_ =	sdelay $0x1  }
0x98: {  	v5 =	vmul.f32 v5, v4;
	v7 =	vmul.f32 v7, v2  }
0x99: {  	v6 =	vadd.f32 $1.000000000e+00, v6  }
0x9a: {  	v5 =	vsub.f32 $1.500000000e+00, v5;
	v7 =	vsub.f32 $1.500000000e+00, v7  }
0x9b: {  	vm13 =	vlt.f32 v6, $2.621440000e+05;
	vm14 =	vlt.f32 v6, $6.553600000e+04  }
0x9c: {  	v4 =	vmul.f32 v5, v4;
	v5 =	vsel vm13, $0x3B000000, v1;
	v7 =	vmul.f32 v7, v2  }
0x9d: {  	vm15 =	vlt.f32 v6, $4.096000000e+03;
	vm4 =	vlt.f32 v6, $1.638400000e+04;
	v2 =	vsel vm14, $0x3B800000, v5  }
0x9e: {  	v5 =	vmul.f32 v4, v0;
	v2 =	vsel vm4, $0x3C000000, v2;
	v8 =	vmul.f32 v7, v3  }
0x9f: {  	vm5 =	vlt.f32 v6, $2.560000000e+02;
	vm6 =	vlt.f32 v6, $1.024000000e+03;
	v2 =	vsel vm15, $0x3C800000, v2  }
0xa0: {  	s11 =	simm.s32 $0x30;
	v5 =	vmul.f32 v5, v4;
	v2 =	vsel vm6, $0x3D000000, v2;
	v8 =	vmul.f32 v8, v7  }
0xa1: {  	v9 =	vld [tilespmem:s11+$0xEE00];
	vm7 =	vlt.f32 v6, $1.600000000e+01;
	vm8 =	vlt.f32 v6, $6.400000000e+01;
	v2 =	vsel vm5, $0x3D800000, v2  }
0xa2: {  	v5 =	vsub.f32 $1.500000000e+00, v5;
	v2 =	vsel vm8, $0x3E000000, v2;
	v8 =	vsub.f32 $1.500000000e+00, v8  }
0xa3: {  	vm9 =	vlt.f32 v6, $4.000000000e+00;
	v10 =	vsel vm7, $0x3E800000, v2;
	v2 =	vmul.f32 $5.000000000e-01, v6  }
0xa4: {  	v4 =	vmul.f32 v5, v4;
	v5 =	vsel vm9, $0x3F000000, v10;
	v6 =	vmul.f32 v8, v7  }
0xa5: {  	v7 =	vmul.f32 v5, v2  }
0xa6: {  	v9 =	vadd.f32 $1.000000000e+00, v9;
	v8 =	vmul.f32 v4, v0;
	v10 =	vmul.f32 v6, v3  }
0xa7: {  	v7 =	vmul.f32 v7, v5  }
0xa8: {  	vm3 =	vlt.f32 v9, $4.096000000e+03;
	v8 =	vmul.f32 v8, v4;
	v10 =	vmul.f32 v10, v6  }
0xa9: {  	vm10 =	vlt.f32 v9, $4.000000000e+00;
	vm13 =	vlt.f32 v9, $1.638400000e+04;
	v7 =	vsub.f32 $1.500000000e+00, v7  }
0xaa: {  	vm4 =	vlt.f32 v9, $2.621440000e+05;
	v8 =	vsub.f32 $1.500000000e+00, v8;
	v10 =	vsub.f32 $1.500000000e+00, v10  }
0xab: {  	vm5 =	vlt.f32 v9, $6.553600000e+04;
	v5 =	vmul.f32 v7, v5;
	v7 =	vsel vm4, $0x3B000000, v1  }
0xac: {  	v11 =	vmul.f32 v8, v4;
	v4 =	vsel vm5, $0x3B800000, v7;
	v10 =	vmul.f32 v10, v6  }
0xad: {  	vm11 =	vlt.f32 v9, $2.560000000e+02;
	vm14 =	vlt.f32 v9, $1.024000000e+03;
	v4 =	vsel vm13, $0x3C000000, v4  }
0xae: {  	v6 =	vmul.f32 v5, v2;
	v4 =	vsel vm3, $0x3C800000, v4;
	v3 =	vmul.f32 v10, v3  }
0xaf: {  	vm15 =	vlt.f32 v9, $6.400000000e+01;
	v7 =	vmul.f32 v11, v0;
	v4 =	vsel vm14, $0x3D000000, v4  }
0xb0: {  	v6 =	vmul.f32 v6, v5;
	v4 =	vsel vm11, $0x3D800000, v4;
	v3 =	vmul.f32 v3, v10  }
0xb1: {  	s5 =	sadd.s32 s9, s5;
	s9 =	simm.s32 $0x40;
	vm12 =	vlt.f32 v9, $1.600000000e+01;
	v7 =	vmul.f32 v7, v11;
	v8 =	vsel vm15, $0x3E000000, v4;
	v4 =	vld [tilespmem:s6+$0xEB80]  }
0xb2: {  	v6 =	vsub.f32 $1.500000000e+00, v6;
	v12 =	vsub.f32 $1.500000000e+00, v3;
	v3 =	vmul.f32 $5.000000000e-01, v9;
	v9 =	vld [tilespmem:s9+$0xEE00]  }
0xb3: {  	v7 =	vsub.f32 $1.500000000e+00, v7  }
0xb4: {  	v8 =	vsel vm12, $0x3E800000, v8;
	v6 =	vmul.f32 v6, v5  }
0xb5: {  	s8 =	sadd.s32 s24, s3;
	s5 =	sadd.s32 $0x16600, s5;
	s12 =	simm.s32 $0x140;
	v8 =	vsel vm10, $0x3F000000, v8;
	v5 =	vmul.f32 v7, v11;
	v7 =	vmul.f32 v12, v10  }
.LBB2_1:
0xb6: {  	p0 =	sne.s32 s12, $0x9C0;
	v10 =	vmul.f32 v8, v3;
	v11 =	vmul.f32 v6, v2  }
0xb7: {  	v12 =	vadd.f32 $1.000000000e+00, v9;
	v9 =	vmul.f32 v5, v0;
	[tilespmem:s6+$0xF080] =	vst v7;
	v4 =	vmul.f32 v7, v4  }
0xb8: {  	v7 =	vmul.f32 v10, v8  }
0xb9: {  	v10 =	vmul.f32 v11, v6;
	vm0 =	vlt.f32 v12, $4.000000000e+00;
	v9 =	vmul.f32 v9, v5;
	[tilespmem:s6+$0xF300] =	vst v4;
	s6 =	smov.u32 s7;
	s7 =	smov.u32 s10;
	s10 =	smov.u32 s11  }
0xba: {  	vm2 =	vlt.f32 v12, $2.560000000e+02;
	vm1 =	vlt.f32 v12, $1.600000000e+01;
	s11 =	smov.u32 s9;
	v4 =	vsub.f32 $1.500000000e+00, v7  }
0xbb: {  	vm3 =	vlt.f32 v12, $4.096000000e+03;
	v7 =	vsub.f32 $1.500000000e+00, v10;
	v9 =	vsub.f32 $1.500000000e+00, v9  }
0xbc: {  	vm4 =	vlt.f32 v12, $2.621440000e+05;
	vm5 =	vlt.f32 v12, $6.553600000e+04;
	v8 =	vmul.f32 v4, v8  }
0xbd: {  	v4 =	vsel vm4, $0x3B000000, v1;
	v7 =	vmul.f32 v7, v6;
	v10 =	vmul.f32 v9, v5  }
0xbe: {  	vm4 =	vlt.f32 v12, $1.638400000e+04;
	v4 =	vsel vm5, $0x3B800000, v4;
	v5 =	vmul.f32 v8, v3  }
0xbf: {  	v4 =	vsel vm4, $0x3C000000, v4;
	v6 =	vmul.f32 v7, v2;
	v9 =	vmul.f32 v10, v0;
	v0 =	vmovc v2;
	v2 =	vmovc v3  }
0xc0: {  	v3 =	vsel vm3, $0x3C800000, v4;
	vm3 =	vlt.f32 v12, $1.024000000e+03;
	v5 =	vmul.f32 v5, v8  }
.Ltmp0:
0xc1: {  	s9 =	sshra.s32 s12, $0x2;
	v3 =	vsel vm3, $0x3D000000, v3;
	v6 =	vmul.f32 v6, v7;
	v11 =	vmul.f32 v9, v10;
	v4 =	vld [tilespmem:s6+$0xEB80];
	(pc) =	sbr.rel @p0 .LBB2_1-.Ltmp0, $4  }
0xc2: {  	v3 =	vsel vm2, $0x3D800000, v3;
	vm2 =	vlt.f32 v12, $6.400000000e+01;
	v9 =	vld [tilespmem:s9+$0xEE00];
	v5 =	vsub.f32 $1.500000000e+00, v5  }
0xc3: {  	v3 =	vsel vm2, $0x3E000000, v3;
	v13 =	vsub.f32 $1.500000000e+00, v6;
	v11 =	vsub.f32 $1.500000000e+00, v11  }
0xc4: {  	v14 =	vsel vm1, $0x3E800000, v3;
	v3 =	vmul.f32 $5.000000000e-01, v12;
	v6 =	vmul.f32 v5, v8  }
0xc5: {  	s12 =	sadd.s32 $0x40, s12;
	v8 =	vsel vm0, $0x3F000000, v14;
	v5 =	vmul.f32 v13, v7;
	v7 =	vmul.f32 v11, v10  }
0xc6: {  	_ = 	snop  }
0xc7: {  	v9 =	vadd.f32 $1.000000000e+00, v9;
	_ =	sdelay $0x1  }
0xc8: {  	vm0 =	vlt.f32 v9, $2.621440000e+05  }
0xc9: {  	vm1 =	vlt.f32 v9, $6.553600000e+04;
	v1 =	vsel vm0, $0x3B000000, v1  }
0xca: {  	v10 =	vmul.f32 v8, v3;
	vm10 =	vlt.f32 v9, $1.638400000e+04;
	v1 =	vsel vm1, $0x3B800000, v1  }
0xcb: {  	vm11 =	vlt.f32 v9, $4.096000000e+03;
	v1 =	vsel vm10, $0x3C000000, v1  }
0xcc: {  	v10 =	vmul.f32 v10, v8;
	vm12 =	vlt.f32 v9, $1.024000000e+03;
	v1 =	vsel vm11, $0x3C800000, v1  }
0xcd: {  	vm13 =	vlt.f32 v9, $2.560000000e+02;
	v1 =	vsel vm12, $0x3D000000, v1  }
0xce: {  	vm14 =	vlt.f32 v9, $6.400000000e+01;
	v10 =	vsub.f32 $1.500000000e+00, v10;
	v1 =	vsel vm13, $0x3D800000, v1  }
0xcf: {  	vm15 =	vlt.f32 v9, $4.000000000e+00;
	vm2 =	vlt.f32 v9, $1.600000000e+01;
	v1 =	vsel vm14, $0x3E000000, v1  }
0xd0: {  	v9 =	vmul.f32 $5.000000000e-01, v9;
	v45 =	vmul.f32 v10, v8;
	v1 =	vsel vm2, $0x3E800000, v1  }
0xd1: {  	v46 =	vmul.f32 v6, v2;
	v1 =	vsel vm15, $0x3F000000, v1  }
0xd2: {  	v11 =	vmul.f32 v45, v3;
	v12 =	vmul.f32 v1, v9  }
0xd3: {  	v10 =	vmul.f32 v46, v6  }
0xd4: {  	v11 =	vmul.f32 v11, v45;
	v12 =	vmul.f32 v12, v1  }
0xd5: {  	v10 =	vsub.f32 $1.500000000e+00, v10  }
0xd6: {  	v11 =	vsub.f32 $1.500000000e+00, v11;
	v12 =	vsub.f32 $1.500000000e+00, v12  }
0xd7: {  	v47 =	vmul.f32 v10, v6  }
0xd8: {  	v8 =	vmul.f32 v11, v45;
	v1 =	vmul.f32 v12, v1  }
0xd9: {  	v13 =	vmul.f32 v5, v0;
	v49 =	vmul.f32 v47, v2  }
0xda: {  	v50 =	vmul.f32 v8, v3;
	v51 =	vmul.f32 v1, v9  }
0xdb: {  	v48 =	vmul.f32 v13, v5;
	v11 =	vmul.f32 v49, v47  }
0xdc: {  	v12 =	vmul.f32 v50, v8;
	v13 =	vmul.f32 v51, v1  }
0xdd: {  	v10 =	vsub.f32 $1.500000000e+00, v48;
	v11 =	vsub.f32 $1.500000000e+00, v11  }
0xde: {  	v4 =	vmul.f32 v7, v4;
	v53 =	vsub.f32 $1.500000000e+00, v12;
	v54 =	vsub.f32 $1.500000000e+00, v13  }
0xdf: {  	v52 =	vmul.f32 v10, v5;
	v6 =	vmul.f32 v11, v47  }
0xe0: {  	v8 =	vmul.f32 v53, v8;
	v1 =	vmul.f32 v54, v1  }
0xe1: {  	v0 =	vmul.f32 v52, v0;
	v55 =	vmul.f32 v6, v2  }
0xe2: {  	[tilespmem:s6+$0xF080] =	vst v7;
	v56 =	vmul.f32 v8, v3;
	v57 =	vmul.f32 v1, v9  }
0xe3: {  	[tilespmem:s6+$0xF300] =	vst v4;
	v0 =	vmul.f32 v0, v52;
	v58 =	vmul.f32 v55, v6  }
0xe4: {  	v59 =	vld [tilespmem:s7+$0xEB80];
	v7 =	vmul.f32 v56, v8;
	v11 =	vmul.f32 v57, v1  }
0xe5: {  	v0 =	vsub.f32 $1.500000000e+00, v0;
	v4 =	vsub.f32 $1.500000000e+00, v58  }
0xe6: {  	v7 =	vsub.f32 $1.500000000e+00, v7;
	v11 =	vsub.f32 $1.500000000e+00, v11  }
0xe7: {  	v0 =	vmul.f32 v0, v52;
	v4 =	vmul.f32 v4, v6  }
0xe8: {  	v60 =	vmul.f32 v7, v8;
	v1 =	vmul.f32 v11, v1  }
0xe9: {  	v61 =	vmul.f32 v0, v59;
	v2 =	vmul.f32 v4, v2  }
0xea: {  	[tilespmem:s7+$0xF080] =	vst v0;
	v0 =	vmul.f32 v60, v3;
	v62 =	vmul.f32 v1, v9  }
0xeb: {  	[tilespmem:s7+$0xF300] =	vst v61;
	v2 =	vmul.f32 v2, v4  }
0xec: {  	v6 =	vld [tilespmem:s10+$0xEB80];
	v0 =	vmul.f32 v0, v60;
	v7 =	vmul.f32 v62, v1  }
0xed: {  	v2 =	vsub.f32 $1.500000000e+00, v2  }
0xee: {  	v0 =	vsub.f32 $1.500000000e+00, v0;
	v7 =	vsub.f32 $1.500000000e+00, v7  }
0xef: {  	v2 =	vmul.f32 v2, v4  }
0xf0: {  	v0 =	vmul.f32 v0, v60;
	v1 =	vmul.f32 v7, v1  }
0xf1: {  	v4 =	vmul.f32 v2, v6  }
0xf2: {  	v3 =	vmul.f32 v0, v3;
	v63 =	vmul.f32 v1, v9  }
0xf3: {  	[tilespmem:s10+$0xF080] =	vst v2  }
0xf4: {  	[tilespmem:s10+$0xF300] =	vst v4;
	v2 =	vmul.f32 v3, v0;
	v3 =	vmul.f32 v63, v1  }
0xf5: {  	v4 =	vld [tilespmem:s11+$0xEB80]  }
0xf6: {  	v2 =	vsub.f32 $1.500000000e+00, v2;
	v3 =	vsub.f32 $1.500000000e+00, v3;
	_ =	sdelay $0x1  }
0xf7: {  	v0 =	vmul.f32 v2, v0;
	v1 =	vmul.f32 v3, v1;
	_ =	sdelay $0x1  }
0xf8: {  	v2 =	vmul.f32 v0, v4;
	v3 =	vmul.f32 v1, v9  }
0xf9: {  	[tilespmem:s11+$0xF080] =	vst v0  }
0xfa: {  	[tilespmem:s11+$0xF300] =	vst v2;
	v0 =	vmul.f32 v3, v1  }
0xfb: {  	v2 =	vld [tilespmem:s9+$0xEB80]  }
0xfc: {  	v0 =	vsub.f32 $1.500000000e+00, v0;
	_ =	sdelay $0x1  }
0xfd: {  	v0 =	vmul.f32 v0, v1;
	_ =	sdelay $0x1  }
0xfe: {  	v1 =	vmul.f32 v0, v2  }
0xff: {  	[tilespmem:s9+$0xF080] =	vst v0  }
0x100: {  	s23 =	simm.s32 $0xF300;
	s24 =	simm.s32 $0x5;
	[tilespmem:s9+$0xF300] =	vst v1  }
0x101: {  	[spmem:s8] =	stream.linear.scatter [tilespmem:s23], [sflag:$0x5], $0x280, $0x38;
	[tilespmem:$0x10200] =	vst v63  }
0x102: {  	_ =	swait.ge [sflag:s24], $0x280  }
0x103: {  	[sflag:s24] =	ssyncset.done $0x0  }
0x104: {  	[sflag:s24] =	ssyncadd.s32 $0xFFFFFD80  }
0x105: {  	s25 =	simm.s32 $0x3;
	[bflag:$0x0] =	sbarrier.arrive $0xFFFF  }
0x106: {  	_ =	swait.ge [sflag:s25], $0x4E20  }
0x107: {  	s26 =	simm.s32 $0x4E20;
	[sflag:s25] =	ssyncset.done $0x0  }
0x108: {  	s28 =	simm.s32 $0x0;
	s29 =	simm.s32 $0x9D00;
	[sflag:s25] =	ssyncadd.s32 $0xFFFFB1E0  }
0x109: {  	[tilespmem:s29], [sflag:$0x5] =	stream.indirect.gather [spmem:s3], $0x1, s28, s26, $0xb8;
	[tilespmem:$0x10200] =	vst v63  }
0x10a: {  	_ =	swait.ge [sflag:s24], $0x4E20  }
0x10b: {  	[sflag:s24] =	ssyncset.done $0x0  }
0x10c: {  	s30 =	simm.s32 $0x4E80;
	[sflag:s24] =	ssyncadd.s32 $0xFFFFB1E0  }
0x10d: {  	[spmem:s2] =	stream.indirect.scatter.add.f32 [tilespmem:s29], [sflag:$0x5], $0x1, s30, s26, $0xb8;
	[tilespmem:$0x10200] =	vst v63  }
0x10e: {  	_ =	swait.ge [sflag:s24], $0x4E20  }
0x10f: {  	[sflag:s24] =	ssyncset.done $0x0  }
0x110: {  	[sflag:s24] =	ssyncadd.s32 $0xFFFFB1E0  }
0x111: {  	s31 =	simm.s32 $0xF580;
	[bflag:$0x0] =	sbarrier.arrive $0xFFFF  }
0x112: {  	[tilespmem:s31], [sflag:$0x5] =	stream.linear.gather [spmem:s4], $0x280, $0x38;
	[tilespmem:$0x10200] =	vst v63  }
0x113: {  	_ =	swait.ge [sflag:s24], $0x280  }
0x114: {  	[sflag:s24] =	ssyncset.done $0x0  }
0x115: {  	s2 =	simm.s32 $0x0;
	[sflag:s24] =	ssyncadd.s32 $0xFFFFFD80  }
0x116: {  	v0 =	vld [tilespmem:s2+$0xF580]  }
0x117: {  	v1 =	vld [tilespmem:s2+$0xF300];
	_ =	sdelay $0x1  }
0x118: {  	v2 =	vld [tilespmem:s2+$0xF080]  }
0x119: {  	s3 =	simm.s32 $0x40  }
.LBB2_3:
0x11a: {  	s4 =	sshra.s32 s3, $0x2;
	p0 =	sne.s32 s3, $0x9C0  }
.Ltmp1:
0x11b: {  	s3 =	sadd.s32 $0x40, s3;
	v3 =	vadd.f32 v1, v0;
	v0 =	vld [tilespmem:s4+$0xF580];
	(pc) =	sbr.rel @p0 .LBB2_3-.Ltmp1, $4  }
0x11c: {  	v1 =	vld [tilespmem:s4+$0xF300]  }
0x11d: {  	v3 =	vmul.f32 v3, v2  }
0x11e: {  	v2 =	vld [tilespmem:s4+$0xF080]  }
0x11f: {  	[tilespmem:s2+$0xF800] =	vst v3;
	s2 =	smov.u32 s4  }
0x120: {  	_ = 	snop  }
0x121: {  	v0 =	vadd.f32 v1, v0;
	_ =	sdelay $0x1  }
0x122: {  	v0 =	vmul.f32 v0, v2;
	_ =	sdelay $0x1  }
0x123: {  	s30 =	simm.s32 $0x0;
	s3 =	simm.s32 $0xF800;
	s31 =	simm.s32 $0x5;
	[tilespmem:s2+$0xF800] =	vst v0  }
0x124: {  	[hbm4b:s5+s30] =	stream.linear.scatter [tilespmem:s3], [sflag:$0x5], $0x280, $0x38;
	[tilespmem:$0x10200] =	vst v63  }
0x125: {  	_ =	swait.ge [sflag:s31], $0x280  }
0x126: {  	[sflag:s31] =	ssyncset.done $0x0  }
0x127: {  	[sflag:s31] =	ssyncadd.s32 $0xFFFFFD80  }
0x128: {  	_ =	sfence.sel $0x180000  }
0x129: {  	[bflag:$0x0] =	sbarrier.arrive $0xFFFF  }
0x12a: {  	p0 =	sne.s32 s0, $0x0;
	_ =	strace $0x90000047  }
0x12b: {  	s0 =	sadd.s32 @!p0 $0x100000, s1;
	[bflag:$0x2] =	sbarrier.arrive $0xFFFF  }
0x12c: {  	[sflag:s0] =	ssyncadd.tile.s32 @!p0 $0x1;
	_ =	shalt  }
.Lfunc_end2:
_tile_overlayer_lowered:
.L_overlay_start_2:
0x12d: {  	(tag) =	ssettag $0x2  }
0x12e: {  	s0 =	rddreg [dreg:$0x0];
	s2 =	stileid.u32  }
0x12f: {  	s1 =	rddreg [dreg:$0x1];
	p0 =	sne.s32 s2, $0x0  }
0x130: {  	s3 =	rddreg [dreg:$0x2];
	[bflag:$0x3] =	sbarrier.arrive $0xFFFF;
	s2 =	simm.s32 @!p0 $0x1C05  }
0x131: {  	[timem:s3], [sflag:s2] =	dma.local @!p0 [hbm:s0], s1  }
0x132: {  	s0 =	simm.s32 @!p0 $0x5  }
0x133: {  	_ =	swait.ge @!p0 [sflag:s0], s1  }
0x134: {  	s1 =	ssub.s32 @!p0 $0x0, s1;
	[sflag:s0] =	ssyncset.done @!p0 $0x0  }
0x135: {  	[sflag:s0] =	ssyncadd.s32 @!p0 s1  }
0x136: {  	[bflag:$0x3] =	sbarrier.arrive $0xFFFF  }
0x137: {  	_ =	shalt  }

</sc_bundles>
